<compile_context>
chip_gen: v7x
topology: tpu7x:2x2x1
jax: 0.10.2.dev20260603
libtpu: 0.0.44.dev20260713+nightly
codegen_flags: <defaults>
</compile_context>

<pallas_src>
import functools

import jax
import jax.numpy as jnp
from jax import lax
from jax.experimental import pallas as pl
from jax.experimental.pallas import tpu as pltpu
from jax.experimental.pallas import tpu_sc as plsc

_K = 8
_BETA = 0.5
_EPS = 1e-8


def _tc_body(c_blk_ref, s_full_ref, t_full_ref, c_full_ref, pk_ref, idx_ref,
             s_scr, t_scr):
    b = pl.program_id(0)
    rb = pl.program_id(1)
    R = c_blk_ref.shape[1]
    P = s_full_ref.shape[1]
    D = s_full_ref.shape[2]
    ones_d = jnp.ones((1, D), jnp.float32)
    nt_dims = (((1,), (1,)), ((), ()))
    hi_mask = jnp.uint32(0xFFFF0000)

    @pl.when(rb == 0)
    def _normalize_full():
        for full_ref, scr in ((s_full_ref, s_scr), (t_full_ref, t_scr)):
            x = full_ref[0]
            n2 = lax.dot_general(x * x, ones_d, nt_dims,
                                 preferred_element_type=jnp.float32)
            inv = 1.0 / jnp.maximum(jnp.sqrt(n2), _EPS)
            scr[...] = (x * inv).astype(jnp.bfloat16)

    s_blk = s_scr[pl.ds(rb * R, R), :]
    t_blk = t_scr[pl.ds(rb * R, R), :]
    gs = lax.dot_general(s_blk, s_scr[...], nt_dims,
                         preferred_element_type=jnp.float32)
    gt = lax.dot_general(t_blk, t_scr[...], nt_dims,
                         preferred_element_type=jnp.float32)

    rnd = jnp.uint32(0x8000)
    pk_hi = (lax.bitcast_convert_type(gs, jnp.uint32) + rnd) & hi_mask
    pk_lo = (lax.bitcast_convert_type(gt, jnp.uint32) + rnd) >> 16
    pk_ref[...] = lax.bitcast_convert_type(pk_hi | pk_lo, jnp.int32).reshape(-1)

    c_blk = c_blk_ref[0]
    c_full = c_full_ref[0]
    ones_3 = jnp.ones((1, 3), jnp.float32)
    dotc = lax.dot_general(c_blk, c_full, nt_dims,
                           preferred_element_type=jnp.float32)
    n2c_blk = jnp.sum(c_blk * c_blk, axis=1, keepdims=True)
    n2c_full = lax.dot_general(ones_3, c_full * c_full, nt_dims,
                               preferred_element_type=jnp.float32)
    d2 = jnp.maximum(n2c_blk + n2c_full - 2.0 * dotc, 0.0)

    col = lax.broadcasted_iota(jnp.int32, (R, P), 1)
    row = lax.broadcasted_iota(jnp.int32, (R, P), 0) + rb * R
    d2 = jnp.where(col == row, jnp.float32(jnp.inf), d2)

    ck = lax.bitcast_convert_type(
        (lax.bitcast_convert_type(d2, jnp.uint32) & jnp.uint32(0xFFFFFC00))
        | lax.bitcast_convert_type(col, jnp.uint32).astype(jnp.uint32),
        jnp.int32)

    imax = jnp.int32(2**31 - 1)
    cols = []
    for _ in range(_K):
        m = jnp.min(ck, axis=1, keepdims=True)
        ck = jnp.where(ck == m, imax, ck)
        cols.append(m & jnp.int32(P - 1))
    r_base = (b * P + rb * R
              + lax.broadcasted_iota(jnp.int32, (R, 1), 0)) * P
    idx_ref[0] = jnp.concatenate(cols, axis=1) + r_base


def _sc_body(pk_hbm, idx_hbm, out_hbm, idx_v, vals_v, acc_v, sem, *,
             n_dmas, n_chunks):
    wid = lax.axis_index("s") * 2 + lax.axis_index("c")
    pltpu.sync_copy(idx_hbm.at[wid], idx_v)
    copies = [
        pltpu.async_copy(pk_hbm.at[idx_v.at[j]],
                         vals_v.at[pl.ds(j * 128, 128)], sem)
        for j in range(n_dmas)
    ]
    for c in copies:
        c.wait()

    hi = jnp.uint32(0xFFFF0000)

    def chunk(i, acc):
        v = vals_v[pl.ds(i * 16, 16)]
        vu = lax.bitcast_convert_type(v, jnp.uint32)
        cs = lax.bitcast_convert_type(vu & hi, jnp.float32)
        ct = lax.bitcast_convert_type(vu << 16, jnp.float32)
        ax = jnp.abs(cs - ct)
        return acc + jnp.where(ax < _BETA, 0.5 * ax * ax / _BETA,
                               ax - 0.5 * _BETA)

    acc_v[...] = lax.fori_loop(0, n_chunks, chunk,
                               jnp.zeros((16,), jnp.float32))
    pltpu.sync_copy(acc_v, out_hbm.at[wid])


def kernel(student_emb, teacher_emb, centers):
    B, P, D = student_emb.shape
    R = min(256, P)
    nrb = P // R

    cblk = pl.BlockSpec((1, R, 3), lambda b, rb: (b, rb if R != P else 0, 0))
    full = pl.BlockSpec((1, P, D), lambda b, rb: (b, 0, 0))
    cfull = pl.BlockSpec((1, P, 3), lambda b, rb: (b, 0, 0))

    pk, idx = pl.pallas_call(
        _tc_body,
        grid=(B, nrb),
        in_specs=[cblk, full, full, cfull],
        out_specs=[pl.BlockSpec((R * P,), lambda b, rb: (b * nrb + rb,)),
                   pl.BlockSpec((1, R, _K), lambda b, rb: (b, rb, 0))],
        out_shape=[jax.ShapeDtypeStruct((B * P * P,), jnp.int32),
                   jax.ShapeDtypeStruct((B, P, _K), jnp.int32)],
        scratch_shapes=[pltpu.VMEM((P, D), jnp.bfloat16),
                        pltpu.VMEM((P, D), jnp.bfloat16)],
        compiler_params=pltpu.CompilerParams(
            dimension_semantics=("parallel", "arbitrary")),
    )(centers, student_emb, teacher_emb, centers)

    info = plsc.get_sparse_core_info()
    nw = info.num_cores * info.num_subcores
    n_pairs = B * P * _K
    per_w = n_pairs // nw
    n_dmas = per_w // 128
    n_chunks = per_w // 16

    sc = functools.partial(
        pl.kernel,
        mesh=plsc.VectorSubcoreMesh(core_axis_name="c", subcore_axis_name="s"),
        out_type=jax.ShapeDtypeStruct((nw, 16), jnp.float32),
        scratch_types=[pltpu.VMEM((n_dmas, 128), jnp.int32),
                       pltpu.VMEM((per_w,), jnp.int32),
                       pltpu.VMEM((16,), jnp.float32),
                       pltpu.SemaphoreType.DMA],
    )(functools.partial(_sc_body, n_dmas=n_dmas, n_chunks=n_chunks))

    partials = sc(pk, idx.reshape(nw, n_dmas, 128))
    return jnp.sum(partials) / jnp.float32(n_pairs)

# --- scband reference (transcript-rebuilt; emitter-appended) ---
"""Pipeline reference for scband-local-relation-distill-loss-79980880986714 (READ-ONLY COPY).

The authoritative reference and input builder live on the scoring server;
editing this copy changes nothing except your own understanding.
"""

import jax, jax.numpy as jnp
import numpy as np

NUM_NEIGHBORS = 8
BETA = 0.5


def setup_inputs(seed: int = 0) -> dict:
    key = jax.random.key(seed)
    k1, k2, k3 = jax.random.split(key, 3)
    student_emb = jax.random.normal(k1, (8, 1024, 768), dtype=jnp.float32)
    teacher_emb = jax.random.normal(k2, (8, 1024, 768), dtype=jnp.float32)
    centers = jax.random.normal(k3, (8, 1024, 3), dtype=jnp.float32)
    return {"student_emb": student_emb, "teacher_emb": teacher_emb, "centers": centers}


def _knn_idx(centers, K):
    # pairwise squared distances [B, P, P]
    d2 = jnp.sum((centers[:, :, None, :] - centers[:, None, :, :]) ** 2, axis=-1)
    # K nearest (ascending distance, sorted) -> like knn_points(return_sorted=True)
    _, idx = jax.lax.top_k(-d2, K)
    return idx


def _knn_gather(emb, idx):
    # emb [B, P, D], idx [B, P, K] -> out[b, i, k, :] = emb[b, idx[b, i, k], :]
    return jax.vmap(lambda e, i: e[i])(emb, idx)


def _cosine(a, b, eps=1e-8):
    dot = jnp.sum(a * b, axis=-1)
    na = jnp.sqrt(jnp.sum(a * a, axis=-1))
    nb = jnp.sqrt(jnp.sum(b * b, axis=-1))
    return dot / (jnp.maximum(na, eps) * jnp.maximum(nb, eps))


def _smooth_l1(x, beta):
    ax = jnp.abs(x)
    return jnp.where(ax < beta, 0.5 * ax * ax / beta, ax - 0.5 * beta)


def reference(student_emb, teacher_emb, centers):
    P = centers.shape[1]
    K = min(NUM_NEIGHBORS + 1, P)
    idx = _knn_idx(centers, K)[:, :, 1:]  # drop self neighbor
    student_nb = _knn_gather(student_emb, idx)  # [B, P, K-1, D]
    teacher_nb = _knn_gather(teacher_emb, idx)
    student_rel = _cosine(student_emb[:, :, None, :], student_nb)  # [B, P, K-1]
    teacher_rel = _cosine(teacher_emb[:, :, None, :], teacher_nb)
    diff = student_rel - jax.lax.stop_gradient(teacher_rel)
    per_patch = jnp.mean(_smooth_l1(diff, BETA), axis=-1)  # [B, P]
    return jnp.mean(per_patch)

if __name__ == "__main__":
    import jax
    _d = setup_inputs()
    print(jax.jit(kernel)(*tuple(_d.values())))

</pallas_src>

<mosaic_0001>
#map = affine_map<(d0, d1) -> (0)>
#map1 = affine_map<(d0, d1) -> (0, 0, 0)>
#map2 = affine_map<(d0, d1) -> (0, 0)>
module attributes {stable_mosaic.version = 14 : i64} {
  func.func @_sc_body(%arg0: i32, %arg1: i32, %arg2: memref<8388608xi32, #tpu.memory_space<hbm>>, %arg3: memref<32x16x128xi32, #tpu.memory_space<hbm>>, %arg4: memref<32x16xf32, #tpu.memory_space<hbm>>, %arg5: memref<16x128xi32, #tpu.memory_space<vmem>>, %arg6: memref<2048xi32, #tpu.memory_space<vmem>>, %arg7: memref<16xf32, #tpu.memory_space<vmem>>, %arg8: memref<!tpu.dma_semaphore, #tpu.memory_space<semaphore_mem>>) attributes {dimension_semantics = [#tpu.dimension_semantics<core_parallel>, #tpu.dimension_semantics<subcore_parallel>], iteration_bounds = array<i64: 2, 16>, scalar_prefetch = 0 : i64, scratch_operands = 4 : i64, tpu.core_type = #tpu.core_type<sc_vector_subcore>, window_params = [{transform_indices = #map}, {transform_indices = #map1}, {transform_indices = #map2}]} {
    %mul3A = arith.constant 2 : i32
    %mul3A_0 = arith.muli %arg1, %mul3A : i32
    %add3A = arith.addi %mul3A_0, %arg0 : i32
    "tpu.region"() ({
      %run_scoped3A = tpu.sem_alloc : memref<!tpu.dma_semaphore, #tpu.memory_space<semaphore_mem>>
      %dma_start3A_265 = arith.constant 0 : i32
      %dma_start3A_266 = arith.constant 0 : i32
      %dma_start3A_267 = tpu.memref_slice %arg3[%add3A, %dma_start3A_265, %dma_start3A_266] : memref<32x16x128xi32, #tpu.memory_space<hbm>> -> memref<1x16x128xi32, #tpu.memory_space<hbm>>
      %dma_start3A_268 = tpu.memref_squeeze %dma_start3A_267 : memref<1x16x128xi32, #tpu.memory_space<hbm>> -> memref<16x128xi32, #tpu.memory_space<hbm>>
      %dma_start3A_269 = arith.constant 0 : i32
      %dma_start3A_270 = arith.constant 0 : i32
      %dma_start3A_271 = tpu.memref_slice %arg3[%add3A, %dma_start3A_269, %dma_start3A_270] : memref<32x16x128xi32, #tpu.memory_space<hbm>> -> memref<1x16x128xi32, #tpu.memory_space<hbm>>
      %dma_start3A_272 = tpu.memref_squeeze %dma_start3A_271 : memref<1x16x128xi32, #tpu.memory_space<hbm>> -> memref<16x128xi32, #tpu.memory_space<hbm>>
      tpu.enqueue_dma source(%dma_start3A_272 : memref<16x128xi32, #tpu.memory_space<hbm>>) target(%arg5 : memref<16x128xi32, #tpu.memory_space<vmem>>) target_semaphore(%run_scoped3A : memref<!tpu.dma_semaphore, #tpu.memory_space<semaphore_mem>>)
      %dma_wait3A_273 = arith.constant 0 : i32
      %dma_wait3A_274 = arith.constant 0 : i32
      %dma_wait3A_275 = tpu.memref_slice %arg3[%add3A, %dma_wait3A_273, %dma_wait3A_274] : memref<32x16x128xi32, #tpu.memory_space<hbm>> -> memref<1x16x128xi32, #tpu.memory_space<hbm>>
      %dma_wait3A_276 = tpu.memref_squeeze %dma_wait3A_275 : memref<1x16x128xi32, #tpu.memory_space<hbm>> -> memref<16x128xi32, #tpu.memory_space<hbm>>
      %dma_wait3A_277 = arith.constant 0 : i32
      %dma_wait3A_278 = arith.constant 0 : i32
      %dma_wait3A_279 = tpu.memref_slice %arg3[%add3A, %dma_wait3A_277, %dma_wait3A_278] : memref<32x16x128xi32, #tpu.memory_space<hbm>> -> memref<1x16x128xi32, #tpu.memory_space<hbm>>
      %dma_wait3A_280 = tpu.memref_squeeze %dma_wait3A_279 : memref<1x16x128xi32, #tpu.memory_space<hbm>> -> memref<16x128xi32, #tpu.memory_space<hbm>>
      tpu.wait_dma2 semaphore(%run_scoped3A : memref<!tpu.dma_semaphore, #tpu.memory_space<semaphore_mem>>) src(%dma_wait3A_280 : memref<16x128xi32, #tpu.memory_space<hbm>>) dst(%arg5 : memref<16x128xi32, #tpu.memory_space<vmem>>)
      tpu.yield
    }) : () -> ()
    %dma_start3A = arith.constant 0 : i32
    %dma_start3A_1 = arith.constant 0 : i32
    %dma_start3A_2 = tpu.memref_slice %arg6[%dma_start3A_1] : memref<2048xi32, #tpu.memory_space<vmem>> -> memref<128xi32, #tpu.memory_space<vmem>>
    %dma_start3A_3 = arith.constant 0 : i32
    %dma_start3A_4 = tpu.memref_slice %arg5[%dma_start3A, %dma_start3A_3] : memref<16x128xi32, #tpu.memory_space<vmem>> -> memref<1x128xi32, #tpu.memory_space<vmem>>
    %dma_start3A_5 = tpu.memref_squeeze %dma_start3A_4 : memref<1x128xi32, #tpu.memory_space<vmem>> -> memref<128xi32, #tpu.memory_space<vmem>>
    %dma_start3A_6 = arith.constant 0 : i32
    %dma_start3A_7 = tpu.memref_slice %arg2[%dma_start3A_6] : memref<8388608xi32, #tpu.memory_space<hbm>> -> memref<8388608xi32, #tpu.memory_space<hbm>>
    tpu.enqueue_indirect_dma source(%dma_start3A_7 : memref<8388608xi32, #tpu.memory_space<hbm>>) target(%dma_start3A_2 : memref<128xi32, #tpu.memory_space<vmem>>) offsets(%dma_start3A_5 : memref<128xi32, #tpu.memory_space<vmem>>) semaphore(%arg8 : memref<!tpu.dma_semaphore, #tpu.memory_space<semaphore_mem>>)
    %dma_start3A_8 = arith.constant 1 : i32
    %dma_start3A_9 = arith.constant 128 : i32
    %dma_start3A_10 = tpu.memref_slice %arg6[%dma_start3A_9] : memref<2048xi32, #tpu.memory_space<vmem>> -> memref<128xi32, #tpu.memory_space<vmem>>
    %dma_start3A_11 = arith.constant 0 : i32
    %dma_start3A_12 = tpu.memref_slice %arg5[%dma_start3A_8, %dma_start3A_11] : memref<16x128xi32, #tpu.memory_space<vmem>> -> memref<1x128xi32, #tpu.memory_space<vmem>>
    %dma_start3A_13 = tpu.memref_squeeze %dma_start3A_12 : memref<1x128xi32, #tpu.memory_space<vmem>> -> memref<128xi32, #tpu.memory_space<vmem>>
    %dma_start3A_14 = arith.constant 0 : i32
    %dma_start3A_15 = tpu.memref_slice %arg2[%dma_start3A_14] : memref<8388608xi32, #tpu.memory_space<hbm>> -> memref<8388608xi32, #tpu.memory_space<hbm>>
    tpu.enqueue_indirect_dma source(%dma_start3A_15 : memref<8388608xi32, #tpu.memory_space<hbm>>) target(%dma_start3A_10 : memref<128xi32, #tpu.memory_space<vmem>>) offsets(%dma_start3A_13 : memref<128xi32, #tpu.memory_space<vmem>>) semaphore(%arg8 : memref<!tpu.dma_semaphore, #tpu.memory_space<semaphore_mem>>)
    %dma_start3A_16 = arith.constant 2 : i32
    %dma_start3A_17 = arith.constant 256 : i32
    %dma_start3A_18 = tpu.memref_slice %arg6[%dma_start3A_17] : memref<2048xi32, #tpu.memory_space<vmem>> -> memref<128xi32, #tpu.memory_space<vmem>>
    %dma_start3A_19 = arith.constant 0 : i32
    %dma_start3A_20 = tpu.memref_slice %arg5[%dma_start3A_16, %dma_start3A_19] : memref<16x128xi32, #tpu.memory_space<vmem>> -> memref<1x128xi32, #tpu.memory_space<vmem>>
    %dma_start3A_21 = tpu.memref_squeeze %dma_start3A_20 : memref<1x128xi32, #tpu.memory_space<vmem>> -> memref<128xi32, #tpu.memory_space<vmem>>
    %dma_start3A_22 = arith.constant 0 : i32
    %dma_start3A_23 = tpu.memref_slice %arg2[%dma_start3A_22] : memref<8388608xi32, #tpu.memory_space<hbm>> -> memref<8388608xi32, #tpu.memory_space<hbm>>
    tpu.enqueue_indirect_dma source(%dma_start3A_23 : memref<8388608xi32, #tpu.memory_space<hbm>>) target(%dma_start3A_18 : memref<128xi32, #tpu.memory_space<vmem>>) offsets(%dma_start3A_21 : memref<128xi32, #tpu.memory_space<vmem>>) semaphore(%arg8 : memref<!tpu.dma_semaphore, #tpu.memory_space<semaphore_mem>>)
    %dma_start3A_24 = arith.constant 3 : i32
    %dma_start3A_25 = arith.constant 384 : i32
    %dma_start3A_26 = tpu.memref_slice %arg6[%dma_start3A_25] : memref<2048xi32, #tpu.memory_space<vmem>> -> memref<128xi32, #tpu.memory_space<vmem>>
    %dma_start3A_27 = arith.constant 0 : i32
    %dma_start3A_28 = tpu.memref_slice %arg5[%dma_start3A_24, %dma_start3A_27] : memref<16x128xi32, #tpu.memory_space<vmem>> -> memref<1x128xi32, #tpu.memory_space<vmem>>
    %dma_start3A_29 = tpu.memref_squeeze %dma_start3A_28 : memref<1x128xi32, #tpu.memory_space<vmem>> -> memref<128xi32, #tpu.memory_space<vmem>>
    %dma_start3A_30 = arith.constant 0 : i32
    %dma_start3A_31 = tpu.memref_slice %arg2[%dma_start3A_30] : memref<8388608xi32, #tpu.memory_space<hbm>> -> memref<8388608xi32, #tpu.memory_space<hbm>>
    tpu.enqueue_indirect_dma source(%dma_start3A_31 : memref<8388608xi32, #tpu.memory_space<hbm>>) target(%dma_start3A_26 : memref<128xi32, #tpu.memory_space<vmem>>) offsets(%dma_start3A_29 : memref<128xi32, #tpu.memory_space<vmem>>) semaphore(%arg8 : memref<!tpu.dma_semaphore, #tpu.memory_space<semaphore_mem>>)
    %dma_start3A_32 = arith.constant 4 : i32
    %dma_start3A_33 = arith.constant 512 : i32
    %dma_start3A_34 = tpu.memref_slice %arg6[%dma_start3A_33] : memref<2048xi32, #tpu.memory_space<vmem>> -> memref<128xi32, #tpu.memory_space<vmem>>
    %dma_start3A_35 = arith.constant 0 : i32
    %dma_start3A_36 = tpu.memref_slice %arg5[%dma_start3A_32, %dma_start3A_35] : memref<16x128xi32, #tpu.memory_space<vmem>> -> memref<1x128xi32, #tpu.memory_space<vmem>>
    %dma_start3A_37 = tpu.memref_squeeze %dma_start3A_36 : memref<1x128xi32, #tpu.memory_space<vmem>> -> memref<128xi32, #tpu.memory_space<vmem>>
    %dma_start3A_38 = arith.constant 0 : i32
    %dma_start3A_39 = tpu.memref_slice %arg2[%dma_start3A_38] : memref<8388608xi32, #tpu.memory_space<hbm>> -> memref<8388608xi32, #tpu.memory_space<hbm>>
    tpu.enqueue_indirect_dma source(%dma_start3A_39 : memref<8388608xi32, #tpu.memory_space<hbm>>) target(%dma_start3A_34 : memref<128xi32, #tpu.memory_space<vmem>>) offsets(%dma_start3A_37 : memref<128xi32, #tpu.memory_space<vmem>>) semaphore(%arg8 : memref<!tpu.dma_semaphore, #tpu.memory_space<semaphore_mem>>)
    %dma_start3A_40 = arith.constant 5 : i32
    %dma_start3A_41 = arith.constant 640 : i32
    %dma_start3A_42 = tpu.memref_slice %arg6[%dma_start3A_41] : memref<2048xi32, #tpu.memory_space<vmem>> -> memref<128xi32, #tpu.memory_space<vmem>>
    %dma_start3A_43 = arith.constant 0 : i32
    %dma_start3A_44 = tpu.memref_slice %arg5[%dma_start3A_40, %dma_start3A_43] : memref<16x128xi32, #tpu.memory_space<vmem>> -> memref<1x128xi32, #tpu.memory_space<vmem>>
    %dma_start3A_45 = tpu.memref_squeeze %dma_start3A_44 : memref<1x128xi32, #tpu.memory_space<vmem>> -> memref<128xi32, #tpu.memory_space<vmem>>
    %dma_start3A_46 = arith.constant 0 : i32
    %dma_start3A_47 = tpu.memref_slice %arg2[%dma_start3A_46] : memref<8388608xi32, #tpu.memory_space<hbm>> -> memref<8388608xi32, #tpu.memory_space<hbm>>
    tpu.enqueue_indirect_dma source(%dma_start3A_47 : memref<8388608xi32, #tpu.memory_space<hbm>>) target(%dma_start3A_42 : memref<128xi32, #tpu.memory_space<vmem>>) offsets(%dma_start3A_45 : memref<128xi32, #tpu.memory_space<vmem>>) semaphore(%arg8 : memref<!tpu.dma_semaphore, #tpu.memory_space<semaphore_mem>>)
    %dma_start3A_48 = arith.constant 6 : i32
    %dma_start3A_49 = arith.constant 768 : i32
    %dma_start3A_50 = tpu.memref_slice %arg6[%dma_start3A_49] : memref<2048xi32, #tpu.memory_space<vmem>> -> memref<128xi32, #tpu.memory_space<vmem>>
    %dma_start3A_51 = arith.constant 0 : i32
    %dma_start3A_52 = tpu.memref_slice %arg5[%dma_start3A_48, %dma_start3A_51] : memref<16x128xi32, #tpu.memory_space<vmem>> -> memref<1x128xi32, #tpu.memory_space<vmem>>
    %dma_start3A_53 = tpu.memref_squeeze %dma_start3A_52 : memref<1x128xi32, #tpu.memory_space<vmem>> -> memref<128xi32, #tpu.memory_space<vmem>>
    %dma_start3A_54 = arith.constant 0 : i32
    %dma_start3A_55 = tpu.memref_slice %arg2[%dma_start3A_54] : memref<8388608xi32, #tpu.memory_space<hbm>> -> memref<8388608xi32, #tpu.memory_space<hbm>>
    tpu.enqueue_indirect_dma source(%dma_start3A_55 : memref<8388608xi32, #tpu.memory_space<hbm>>) target(%dma_start3A_50 : memref<128xi32, #tpu.memory_space<vmem>>) offsets(%dma_start3A_53 : memref<128xi32, #tpu.memory_space<vmem>>) semaphore(%arg8 : memref<!tpu.dma_semaphore, #tpu.memory_space<semaphore_mem>>)
    %dma_start3A_56 = arith.constant 7 : i32
    %dma_start3A_57 = arith.constant 896 : i32
    %dma_start3A_58 = tpu.memref_slice %arg6[%dma_start3A_57] : memref<2048xi32, #tpu.memory_space<vmem>> -> memref<128xi32, #tpu.memory_space<vmem>>
    %dma_start3A_59 = arith.constant 0 : i32
    %dma_start3A_60 = tpu.memref_slice %arg5[%dma_start3A_56, %dma_start3A_59] : memref<16x128xi32, #tpu.memory_space<vmem>> -> memref<1x128xi32, #tpu.memory_space<vmem>>
    %dma_start3A_61 = tpu.memref_squeeze %dma_start3A_60 : memref<1x128xi32, #tpu.memory_space<vmem>> -> memref<128xi32, #tpu.memory_space<vmem>>
    %dma_start3A_62 = arith.constant 0 : i32
    %dma_start3A_63 = tpu.memref_slice %arg2[%dma_start3A_62] : memref<8388608xi32, #tpu.memory_space<hbm>> -> memref<8388608xi32, #tpu.memory_space<hbm>>
    tpu.enqueue_indirect_dma source(%dma_start3A_63 : memref<8388608xi32, #tpu.memory_space<hbm>>) target(%dma_start3A_58 : memref<128xi32, #tpu.memory_space<vmem>>) offsets(%dma_start3A_61 : memref<128xi32, #tpu.memory_space<vmem>>) semaphore(%arg8 : memref<!tpu.dma_semaphore, #tpu.memory_space<semaphore_mem>>)
    %dma_start3A_64 = arith.constant 8 : i32
    %dma_start3A_65 = arith.constant 1024 : i32
    %dma_start3A_66 = tpu.memref_slice %arg6[%dma_start3A_65] : memref<2048xi32, #tpu.memory_space<vmem>> -> memref<128xi32, #tpu.memory_space<vmem>>
    %dma_start3A_67 = arith.constant 0 : i32
    %dma_start3A_68 = tpu.memref_slice %arg5[%dma_start3A_64, %dma_start3A_67] : memref<16x128xi32, #tpu.memory_space<vmem>> -> memref<1x128xi32, #tpu.memory_space<vmem>>
    %dma_start3A_69 = tpu.memref_squeeze %dma_start3A_68 : memref<1x128xi32, #tpu.memory_space<vmem>> -> memref<128xi32, #tpu.memory_space<vmem>>
    %dma_start3A_70 = arith.constant 0 : i32
    %dma_start3A_71 = tpu.memref_slice %arg2[%dma_start3A_70] : memref<8388608xi32, #tpu.memory_space<hbm>> -> memref<8388608xi32, #tpu.memory_space<hbm>>
    tpu.enqueue_indirect_dma source(%dma_start3A_71 : memref<8388608xi32, #tpu.memory_space<hbm>>) target(%dma_start3A_66 : memref<128xi32, #tpu.memory_space<vmem>>) offsets(%dma_start3A_69 : memref<128xi32, #tpu.memory_space<vmem>>) semaphore(%arg8 : memref<!tpu.dma_semaphore, #tpu.memory_space<semaphore_mem>>)
    %dma_start3A_72 = arith.constant 9 : i32
    %dma_start3A_73 = arith.constant 1152 : i32
    %dma_start3A_74 = tpu.memref_slice %arg6[%dma_start3A_73] : memref<2048xi32, #tpu.memory_space<vmem>> -> memref<128xi32, #tpu.memory_space<vmem>>
    %dma_start3A_75 = arith.constant 0 : i32
    %dma_start3A_76 = tpu.memref_slice %arg5[%dma_start3A_72, %dma_start3A_75] : memref<16x128xi32, #tpu.memory_space<vmem>> -> memref<1x128xi32, #tpu.memory_space<vmem>>
    %dma_start3A_77 = tpu.memref_squeeze %dma_start3A_76 : memref<1x128xi32, #tpu.memory_space<vmem>> -> memref<128xi32, #tpu.memory_space<vmem>>
    %dma_start3A_78 = arith.constant 0 : i32
    %dma_start3A_79 = tpu.memref_slice %arg2[%dma_start3A_78] : memref<8388608xi32, #tpu.memory_space<hbm>> -> memref<8388608xi32, #tpu.memory_space<hbm>>
    tpu.enqueue_indirect_dma source(%dma_start3A_79 : memref<8388608xi32, #tpu.memory_space<hbm>>) target(%dma_start3A_74 : memref<128xi32, #tpu.memory_space<vmem>>) offsets(%dma_start3A_77 : memref<128xi32, #tpu.memory_space<vmem>>) semaphore(%arg8 : memref<!tpu.dma_semaphore, #tpu.memory_space<semaphore_mem>>)
    %dma_start3A_80 = arith.constant 10 : i32
    %dma_start3A_81 = arith.constant 1280 : i32
    %dma_start3A_82 = tpu.memref_slice %arg6[%dma_start3A_81] : memref<2048xi32, #tpu.memory_space<vmem>> -> memref<128xi32, #tpu.memory_space<vmem>>
    %dma_start3A_83 = arith.constant 0 : i32
    %dma_start3A_84 = tpu.memref_slice %arg5[%dma_start3A_80, %dma_start3A_83] : memref<16x128xi32, #tpu.memory_space<vmem>> -> memref<1x128xi32, #tpu.memory_space<vmem>>
    %dma_start3A_85 = tpu.memref_squeeze %dma_start3A_84 : memref<1x128xi32, #tpu.memory_space<vmem>> -> memref<128xi32, #tpu.memory_space<vmem>>
    %dma_start3A_86 = arith.constant 0 : i32
    %dma_start3A_87 = tpu.memref_slice %arg2[%dma_start3A_86] : memref<8388608xi32, #tpu.memory_space<hbm>> -> memref<8388608xi32, #tpu.memory_space<hbm>>
    tpu.enqueue_indirect_dma source(%dma_start3A_87 : memref<8388608xi32, #tpu.memory_space<hbm>>) target(%dma_start3A_82 : memref<128xi32, #tpu.memory_space<vmem>>) offsets(%dma_start3A_85 : memref<128xi32, #tpu.memory_space<vmem>>) semaphore(%arg8 : memref<!tpu.dma_semaphore, #tpu.memory_space<semaphore_mem>>)
    %dma_start3A_88 = arith.constant 11 : i32
    %dma_start3A_89 = arith.constant 1408 : i32
    %dma_start3A_90 = tpu.memref_slice %arg6[%dma_start3A_89] : memref<2048xi32, #tpu.memory_space<vmem>> -> memref<128xi32, #tpu.memory_space<vmem>>
    %dma_start3A_91 = arith.constant 0 : i32
    %dma_start3A_92 = tpu.memref_slice %arg5[%dma_start3A_88, %dma_start3A_91] : memref<16x128xi32, #tpu.memory_space<vmem>> -> memref<1x128xi32, #tpu.memory_space<vmem>>
    %dma_start3A_93 = tpu.memref_squeeze %dma_start3A_92 : memref<1x128xi32, #tpu.memory_space<vmem>> -> memref<128xi32, #tpu.memory_space<vmem>>
    %dma_start3A_94 = arith.constant 0 : i32
    %dma_start3A_95 = tpu.memref_slice %arg2[%dma_start3A_94] : memref<8388608xi32, #tpu.memory_space<hbm>> -> memref<8388608xi32, #tpu.memory_space<hbm>>
    tpu.enqueue_indirect_dma source(%dma_start3A_95 : memref<8388608xi32, #tpu.memory_space<hbm>>) target(%dma_start3A_90 : memref<128xi32, #tpu.memory_space<vmem>>) offsets(%dma_start3A_93 : memref<128xi32, #tpu.memory_space<vmem>>) semaphore(%arg8 : memref<!tpu.dma_semaphore, #tpu.memory_space<semaphore_mem>>)
    %dma_start3A_96 = arith.constant 12 : i32
    %dma_start3A_97 = arith.constant 1536 : i32
    %dma_start3A_98 = tpu.memref_slice %arg6[%dma_start3A_97] : memref<2048xi32, #tpu.memory_space<vmem>> -> memref<128xi32, #tpu.memory_space<vmem>>
    %dma_start3A_99 = arith.constant 0 : i32
    %dma_start3A_100 = tpu.memref_slice %arg5[%dma_start3A_96, %dma_start3A_99] : memref<16x128xi32, #tpu.memory_space<vmem>> -> memref<1x128xi32, #tpu.memory_space<vmem>>
    %dma_start3A_101 = tpu.memref_squeeze %dma_start3A_100 : memref<1x128xi32, #tpu.memory_space<vmem>> -> memref<128xi32, #tpu.memory_space<vmem>>
    %dma_start3A_102 = arith.constant 0 : i32
    %dma_start3A_103 = tpu.memref_slice %arg2[%dma_start3A_102] : memref<8388608xi32, #tpu.memory_space<hbm>> -> memref<8388608xi32, #tpu.memory_space<hbm>>
    tpu.enqueue_indirect_dma source(%dma_start3A_103 : memref<8388608xi32, #tpu.memory_space<hbm>>) target(%dma_start3A_98 : memref<128xi32, #tpu.memory_space<vmem>>) offsets(%dma_start3A_101 : memref<128xi32, #tpu.memory_space<vmem>>) semaphore(%arg8 : memref<!tpu.dma_semaphore, #tpu.memory_space<semaphore_mem>>)
    %dma_start3A_104 = arith.constant 13 : i32
    %dma_start3A_105 = arith.constant 1664 : i32
    %dma_start3A_106 = tpu.memref_slice %arg6[%dma_start3A_105] : memref<2048xi32, #tpu.memory_space<vmem>> -> memref<128xi32, #tpu.memory_space<vmem>>
    %dma_start3A_107 = arith.constant 0 : i32
    %dma_start3A_108 = tpu.memref_slice %arg5[%dma_start3A_104, %dma_start3A_107] : memref<16x128xi32, #tpu.memory_space<vmem>> -> memref<1x128xi32, #tpu.memory_space<vmem>>
    %dma_start3A_109 = tpu.memref_squeeze %dma_start3A_108 : memref<1x128xi32, #tpu.memory_space<vmem>> -> memref<128xi32, #tpu.memory_space<vmem>>
    %dma_start3A_110 = arith.constant 0 : i32
    %dma_start3A_111 = tpu.memref_slice %arg2[%dma_start3A_110] : memref<8388608xi32, #tpu.memory_space<hbm>> -> memref<8388608xi32, #tpu.memory_space<hbm>>
    tpu.enqueue_indirect_dma source(%dma_start3A_111 : memref<8388608xi32, #tpu.memory_space<hbm>>) target(%dma_start3A_106 : memref<128xi32, #tpu.memory_space<vmem>>) offsets(%dma_start3A_109 : memref<128xi32, #tpu.memory_space<vmem>>) semaphore(%arg8 : memref<!tpu.dma_semaphore, #tpu.memory_space<semaphore_mem>>)
    %dma_start3A_112 = arith.constant 14 : i32
    %dma_start3A_113 = arith.constant 1792 : i32
    %dma_start3A_114 = tpu.memref_slice %arg6[%dma_start3A_113] : memref<2048xi32, #tpu.memory_space<vmem>> -> memref<128xi32, #tpu.memory_space<vmem>>
    %dma_start3A_115 = arith.constant 0 : i32
    %dma_start3A_116 = tpu.memref_slice %arg5[%dma_start3A_112, %dma_start3A_115] : memref<16x128xi32, #tpu.memory_space<vmem>> -> memref<1x128xi32, #tpu.memory_space<vmem>>
    %dma_start3A_117 = tpu.memref_squeeze %dma_start3A_116 : memref<1x128xi32, #tpu.memory_space<vmem>> -> memref<128xi32, #tpu.memory_space<vmem>>
    %dma_start3A_118 = arith.constant 0 : i32
    %dma_start3A_119 = tpu.memref_slice %arg2[%dma_start3A_118] : memref<8388608xi32, #tpu.memory_space<hbm>> -> memref<8388608xi32, #tpu.memory_space<hbm>>
    tpu.enqueue_indirect_dma source(%dma_start3A_119 : memref<8388608xi32, #tpu.memory_space<hbm>>) target(%dma_start3A_114 : memref<128xi32, #tpu.memory_space<vmem>>) offsets(%dma_start3A_117 : memref<128xi32, #tpu.memory_space<vmem>>) semaphore(%arg8 : memref<!tpu.dma_semaphore, #tpu.memory_space<semaphore_mem>>)
    %dma_start3A_120 = arith.constant 15 : i32
    %dma_start3A_121 = arith.constant 1920 : i32
    %dma_start3A_122 = tpu.memref_slice %arg6[%dma_start3A_121] : memref<2048xi32, #tpu.memory_space<vmem>> -> memref<128xi32, #tpu.memory_space<vmem>>
    %dma_start3A_123 = arith.constant 0 : i32
    %dma_start3A_124 = tpu.memref_slice %arg5[%dma_start3A_120, %dma_start3A_123] : memref<16x128xi32, #tpu.memory_space<vmem>> -> memref<1x128xi32, #tpu.memory_space<vmem>>
    %dma_start3A_125 = tpu.memref_squeeze %dma_start3A_124 : memref<1x128xi32, #tpu.memory_space<vmem>> -> memref<128xi32, #tpu.memory_space<vmem>>
    %dma_start3A_126 = arith.constant 0 : i32
    %dma_start3A_127 = tpu.memref_slice %arg2[%dma_start3A_126] : memref<8388608xi32, #tpu.memory_space<hbm>> -> memref<8388608xi32, #tpu.memory_space<hbm>>
    tpu.enqueue_indirect_dma source(%dma_start3A_127 : memref<8388608xi32, #tpu.memory_space<hbm>>) target(%dma_start3A_122 : memref<128xi32, #tpu.memory_space<vmem>>) offsets(%dma_start3A_125 : memref<128xi32, #tpu.memory_space<vmem>>) semaphore(%arg8 : memref<!tpu.dma_semaphore, #tpu.memory_space<semaphore_mem>>)
    %dma_wait3A = arith.constant 0 : i32
    %dma_wait3A_128 = arith.constant 0 : i32
    %dma_wait3A_129 = tpu.memref_slice %arg6[%dma_wait3A_128] : memref<2048xi32, #tpu.memory_space<vmem>> -> memref<128xi32, #tpu.memory_space<vmem>>
    %dma_wait3A_130 = arith.constant 0 : i32
    %dma_wait3A_131 = tpu.memref_slice %arg5[%dma_wait3A, %dma_wait3A_130] : memref<16x128xi32, #tpu.memory_space<vmem>> -> memref<1x128xi32, #tpu.memory_space<vmem>>
    %dma_wait3A_132 = tpu.memref_squeeze %dma_wait3A_131 : memref<1x128xi32, #tpu.memory_space<vmem>> -> memref<128xi32, #tpu.memory_space<vmem>>
    %dma_wait3A_133 = arith.constant 0 : i32
    %dma_wait3A_134 = tpu.memref_slice %arg2[%dma_wait3A_133] : memref<8388608xi32, #tpu.memory_space<hbm>> -> memref<8388608xi32, #tpu.memory_space<hbm>>
    tpu.wait_indirect_dma semaphore(%arg8 : memref<!tpu.dma_semaphore, #tpu.memory_space<semaphore_mem>>) src(%dma_wait3A_134 : memref<8388608xi32, #tpu.memory_space<hbm>>) dst(%dma_wait3A_129 : memref<128xi32, #tpu.memory_space<vmem>>)
    %dma_wait3A_135 = arith.constant 1 : i32
    %dma_wait3A_136 = arith.constant 128 : i32
    %dma_wait3A_137 = tpu.memref_slice %arg6[%dma_wait3A_136] : memref<2048xi32, #tpu.memory_space<vmem>> -> memref<128xi32, #tpu.memory_space<vmem>>
    %dma_wait3A_138 = arith.constant 0 : i32
    %dma_wait3A_139 = tpu.memref_slice %arg5[%dma_wait3A_135, %dma_wait3A_138] : memref<16x128xi32, #tpu.memory_space<vmem>> -> memref<1x128xi32, #tpu.memory_space<vmem>>
    %dma_wait3A_140 = tpu.memref_squeeze %dma_wait3A_139 : memref<1x128xi32, #tpu.memory_space<vmem>> -> memref<128xi32, #tpu.memory_space<vmem>>
    %dma_wait3A_141 = arith.constant 0 : i32
    %dma_wait3A_142 = tpu.memref_slice %arg2[%dma_wait3A_141] : memref<8388608xi32, #tpu.memory_space<hbm>> -> memref<8388608xi32, #tpu.memory_space<hbm>>
    tpu.wait_indirect_dma semaphore(%arg8 : memref<!tpu.dma_semaphore, #tpu.memory_space<semaphore_mem>>) src(%dma_wait3A_142 : memref<8388608xi32, #tpu.memory_space<hbm>>) dst(%dma_wait3A_137 : memref<128xi32, #tpu.memory_space<vmem>>)
    %dma_wait3A_143 = arith.constant 2 : i32
    %dma_wait3A_144 = arith.constant 256 : i32
    %dma_wait3A_145 = tpu.memref_slice %arg6[%dma_wait3A_144] : memref<2048xi32, #tpu.memory_space<vmem>> -> memref<128xi32, #tpu.memory_space<vmem>>
    %dma_wait3A_146 = arith.constant 0 : i32
    %dma_wait3A_147 = tpu.memref_slice %arg5[%dma_wait3A_143, %dma_wait3A_146] : memref<16x128xi32, #tpu.memory_space<vmem>> -> memref<1x128xi32, #tpu.memory_space<vmem>>
    %dma_wait3A_148 = tpu.memref_squeeze %dma_wait3A_147 : memref<1x128xi32, #tpu.memory_space<vmem>> -> memref<128xi32, #tpu.memory_space<vmem>>
    %dma_wait3A_149 = arith.constant 0 : i32
    %dma_wait3A_150 = tpu.memref_slice %arg2[%dma_wait3A_149] : memref<8388608xi32, #tpu.memory_space<hbm>> -> memref<8388608xi32, #tpu.memory_space<hbm>>
    tpu.wait_indirect_dma semaphore(%arg8 : memref<!tpu.dma_semaphore, #tpu.memory_space<semaphore_mem>>) src(%dma_wait3A_150 : memref<8388608xi32, #tpu.memory_space<hbm>>) dst(%dma_wait3A_145 : memref<128xi32, #tpu.memory_space<vmem>>)
    %dma_wait3A_151 = arith.constant 3 : i32
    %dma_wait3A_152 = arith.constant 384 : i32
    %dma_wait3A_153 = tpu.memref_slice %arg6[%dma_wait3A_152] : memref<2048xi32, #tpu.memory_space<vmem>> -> memref<128xi32, #tpu.memory_space<vmem>>
    %dma_wait3A_154 = arith.constant 0 : i32
    %dma_wait3A_155 = tpu.memref_slice %arg5[%dma_wait3A_151, %dma_wait3A_154] : memref<16x128xi32, #tpu.memory_space<vmem>> -> memref<1x128xi32, #tpu.memory_space<vmem>>
    %dma_wait3A_156 = tpu.memref_squeeze %dma_wait3A_155 : memref<1x128xi32, #tpu.memory_space<vmem>> -> memref<128xi32, #tpu.memory_space<vmem>>
    %dma_wait3A_157 = arith.constant 0 : i32
    %dma_wait3A_158 = tpu.memref_slice %arg2[%dma_wait3A_157] : memref<8388608xi32, #tpu.memory_space<hbm>> -> memref<8388608xi32, #tpu.memory_space<hbm>>
    tpu.wait_indirect_dma semaphore(%arg8 : memref<!tpu.dma_semaphore, #tpu.memory_space<semaphore_mem>>) src(%dma_wait3A_158 : memref<8388608xi32, #tpu.memory_space<hbm>>) dst(%dma_wait3A_153 : memref<128xi32, #tpu.memory_space<vmem>>)
    %dma_wait3A_159 = arith.constant 4 : i32
    %dma_wait3A_160 = arith.constant 512 : i32
    %dma_wait3A_161 = tpu.memref_slice %arg6[%dma_wait3A_160] : memref<2048xi32, #tpu.memory_space<vmem>> -> memref<128xi32, #tpu.memory_space<vmem>>
    %dma_wait3A_162 = arith.constant 0 : i32
    %dma_wait3A_163 = tpu.memref_slice %arg5[%dma_wait3A_159, %dma_wait3A_162] : memref<16x128xi32, #tpu.memory_space<vmem>> -> memref<1x128xi32, #tpu.memory_space<vmem>>
    %dma_wait3A_164 = tpu.memref_squeeze %dma_wait3A_163 : memref<1x128xi32, #tpu.memory_space<vmem>> -> memref<128xi32, #tpu.memory_space<vmem>>
    %dma_wait3A_165 = arith.constant 0 : i32
    %dma_wait3A_166 = tpu.memref_slice %arg2[%dma_wait3A_165] : memref<8388608xi32, #tpu.memory_space<hbm>> -> memref<8388608xi32, #tpu.memory_space<hbm>>
    tpu.wait_indirect_dma semaphore(%arg8 : memref<!tpu.dma_semaphore, #tpu.memory_space<semaphore_mem>>) src(%dma_wait3A_166 : memref<8388608xi32, #tpu.memory_space<hbm>>) dst(%dma_wait3A_161 : memref<128xi32, #tpu.memory_space<vmem>>)
    %dma_wait3A_167 = arith.constant 5 : i32
    %dma_wait3A_168 = arith.constant 640 : i32
    %dma_wait3A_169 = tpu.memref_slice %arg6[%dma_wait3A_168] : memref<2048xi32, #tpu.memory_space<vmem>> -> memref<128xi32, #tpu.memory_space<vmem>>
    %dma_wait3A_170 = arith.constant 0 : i32
    %dma_wait3A_171 = tpu.memref_slice %arg5[%dma_wait3A_167, %dma_wait3A_170] : memref<16x128xi32, #tpu.memory_space<vmem>> -> memref<1x128xi32, #tpu.memory_space<vmem>>
    %dma_wait3A_172 = tpu.memref_squeeze %dma_wait3A_171 : memref<1x128xi32, #tpu.memory_space<vmem>> -> memref<128xi32, #tpu.memory_space<vmem>>
    %dma_wait3A_173 = arith.constant 0 : i32
    %dma_wait3A_174 = tpu.memref_slice %arg2[%dma_wait3A_173] : memref<8388608xi32, #tpu.memory_space<hbm>> -> memref<8388608xi32, #tpu.memory_space<hbm>>
    tpu.wait_indirect_dma semaphore(%arg8 : memref<!tpu.dma_semaphore, #tpu.memory_space<semaphore_mem>>) src(%dma_wait3A_174 : memref<8388608xi32, #tpu.memory_space<hbm>>) dst(%dma_wait3A_169 : memref<128xi32, #tpu.memory_space<vmem>>)
    %dma_wait3A_175 = arith.constant 6 : i32
    %dma_wait3A_176 = arith.constant 768 : i32
    %dma_wait3A_177 = tpu.memref_slice %arg6[%dma_wait3A_176] : memref<2048xi32, #tpu.memory_space<vmem>> -> memref<128xi32, #tpu.memory_space<vmem>>
    %dma_wait3A_178 = arith.constant 0 : i32
    %dma_wait3A_179 = tpu.memref_slice %arg5[%dma_wait3A_175, %dma_wait3A_178] : memref<16x128xi32, #tpu.memory_space<vmem>> -> memref<1x128xi32, #tpu.memory_space<vmem>>
    %dma_wait3A_180 = tpu.memref_squeeze %dma_wait3A_179 : memref<1x128xi32, #tpu.memory_space<vmem>> -> memref<128xi32, #tpu.memory_space<vmem>>
    %dma_wait3A_181 = arith.constant 0 : i32
    %dma_wait3A_182 = tpu.memref_slice %arg2[%dma_wait3A_181] : memref<8388608xi32, #tpu.memory_space<hbm>> -> memref<8388608xi32, #tpu.memory_space<hbm>>
    tpu.wait_indirect_dma semaphore(%arg8 : memref<!tpu.dma_semaphore, #tpu.memory_space<semaphore_mem>>) src(%dma_wait3A_182 : memref<8388608xi32, #tpu.memory_space<hbm>>) dst(%dma_wait3A_177 : memref<128xi32, #tpu.memory_space<vmem>>)
    %dma_wait3A_183 = arith.constant 7 : i32
    %dma_wait3A_184 = arith.constant 896 : i32
    %dma_wait3A_185 = tpu.memref_slice %arg6[%dma_wait3A_184] : memref<2048xi32, #tpu.memory_space<vmem>> -> memref<128xi32, #tpu.memory_space<vmem>>
    %dma_wait3A_186 = arith.constant 0 : i32
    %dma_wait3A_187 = tpu.memref_slice %arg5[%dma_wait3A_183, %dma_wait3A_186] : memref<16x128xi32, #tpu.memory_space<vmem>> -> memref<1x128xi32, #tpu.memory_space<vmem>>
    %dma_wait3A_188 = tpu.memref_squeeze %dma_wait3A_187 : memref<1x128xi32, #tpu.memory_space<vmem>> -> memref<128xi32, #tpu.memory_space<vmem>>
    %dma_wait3A_189 = arith.constant 0 : i32
    %dma_wait3A_190 = tpu.memref_slice %arg2[%dma_wait3A_189] : memref<8388608xi32, #tpu.memory_space<hbm>> -> memref<8388608xi32, #tpu.memory_space<hbm>>
    tpu.wait_indirect_dma semaphore(%arg8 : memref<!tpu.dma_semaphore, #tpu.memory_space<semaphore_mem>>) src(%dma_wait3A_190 : memref<8388608xi32, #tpu.memory_space<hbm>>) dst(%dma_wait3A_185 : memref<128xi32, #tpu.memory_space<vmem>>)
    %dma_wait3A_191 = arith.constant 8 : i32
    %dma_wait3A_192 = arith.constant 1024 : i32
    %dma_wait3A_193 = tpu.memref_slice %arg6[%dma_wait3A_192] : memref<2048xi32, #tpu.memory_space<vmem>> -> memref<128xi32, #tpu.memory_space<vmem>>
    %dma_wait3A_194 = arith.constant 0 : i32
    %dma_wait3A_195 = tpu.memref_slice %arg5[%dma_wait3A_191, %dma_wait3A_194] : memref<16x128xi32, #tpu.memory_space<vmem>> -> memref<1x128xi32, #tpu.memory_space<vmem>>
    %dma_wait3A_196 = tpu.memref_squeeze %dma_wait3A_195 : memref<1x128xi32, #tpu.memory_space<vmem>> -> memref<128xi32, #tpu.memory_space<vmem>>
    %dma_wait3A_197 = arith.constant 0 : i32
    %dma_wait3A_198 = tpu.memref_slice %arg2[%dma_wait3A_197] : memref<8388608xi32, #tpu.memory_space<hbm>> -> memref<8388608xi32, #tpu.memory_space<hbm>>
    tpu.wait_indirect_dma semaphore(%arg8 : memref<!tpu.dma_semaphore, #tpu.memory_space<semaphore_mem>>) src(%dma_wait3A_198 : memref<8388608xi32, #tpu.memory_space<hbm>>) dst(%dma_wait3A_193 : memref<128xi32, #tpu.memory_space<vmem>>)
    %dma_wait3A_199 = arith.constant 9 : i32
    %dma_wait3A_200 = arith.constant 1152 : i32
    %dma_wait3A_201 = tpu.memref_slice %arg6[%dma_wait3A_200] : memref<2048xi32, #tpu.memory_space<vmem>> -> memref<128xi32, #tpu.memory_space<vmem>>
    %dma_wait3A_202 = arith.constant 0 : i32
    %dma_wait3A_203 = tpu.memref_slice %arg5[%dma_wait3A_199, %dma_wait3A_202] : memref<16x128xi32, #tpu.memory_space<vmem>> -> memref<1x128xi32, #tpu.memory_space<vmem>>
    %dma_wait3A_204 = tpu.memref_squeeze %dma_wait3A_203 : memref<1x128xi32, #tpu.memory_space<vmem>> -> memref<128xi32, #tpu.memory_space<vmem>>
    %dma_wait3A_205 = arith.constant 0 : i32
    %dma_wait3A_206 = tpu.memref_slice %arg2[%dma_wait3A_205] : memref<8388608xi32, #tpu.memory_space<hbm>> -> memref<8388608xi32, #tpu.memory_space<hbm>>
    tpu.wait_indirect_dma semaphore(%arg8 : memref<!tpu.dma_semaphore, #tpu.memory_space<semaphore_mem>>) src(%dma_wait3A_206 : memref<8388608xi32, #tpu.memory_space<hbm>>) dst(%dma_wait3A_201 : memref<128xi32, #tpu.memory_space<vmem>>)
    %dma_wait3A_207 = arith.constant 10 : i32
    %dma_wait3A_208 = arith.constant 1280 : i32
    %dma_wait3A_209 = tpu.memref_slice %arg6[%dma_wait3A_208] : memref<2048xi32, #tpu.memory_space<vmem>> -> memref<128xi32, #tpu.memory_space<vmem>>
    %dma_wait3A_210 = arith.constant 0 : i32
    %dma_wait3A_211 = tpu.memref_slice %arg5[%dma_wait3A_207, %dma_wait3A_210] : memref<16x128xi32, #tpu.memory_space<vmem>> -> memref<1x128xi32, #tpu.memory_space<vmem>>
    %dma_wait3A_212 = tpu.memref_squeeze %dma_wait3A_211 : memref<1x128xi32, #tpu.memory_space<vmem>> -> memref<128xi32, #tpu.memory_space<vmem>>
    %dma_wait3A_213 = arith.constant 0 : i32
    %dma_wait3A_214 = tpu.memref_slice %arg2[%dma_wait3A_213] : memref<8388608xi32, #tpu.memory_space<hbm>> -> memref<8388608xi32, #tpu.memory_space<hbm>>
    tpu.wait_indirect_dma semaphore(%arg8 : memref<!tpu.dma_semaphore, #tpu.memory_space<semaphore_mem>>) src(%dma_wait3A_214 : memref<8388608xi32, #tpu.memory_space<hbm>>) dst(%dma_wait3A_209 : memref<128xi32, #tpu.memory_space<vmem>>)
    %dma_wait3A_215 = arith.constant 11 : i32
    %dma_wait3A_216 = arith.constant 1408 : i32
    %dma_wait3A_217 = tpu.memref_slice %arg6[%dma_wait3A_216] : memref<2048xi32, #tpu.memory_space<vmem>> -> memref<128xi32, #tpu.memory_space<vmem>>
    %dma_wait3A_218 = arith.constant 0 : i32
    %dma_wait3A_219 = tpu.memref_slice %arg5[%dma_wait3A_215, %dma_wait3A_218] : memref<16x128xi32, #tpu.memory_space<vmem>> -> memref<1x128xi32, #tpu.memory_space<vmem>>
    %dma_wait3A_220 = tpu.memref_squeeze %dma_wait3A_219 : memref<1x128xi32, #tpu.memory_space<vmem>> -> memref<128xi32, #tpu.memory_space<vmem>>
    %dma_wait3A_221 = arith.constant 0 : i32
    %dma_wait3A_222 = tpu.memref_slice %arg2[%dma_wait3A_221] : memref<8388608xi32, #tpu.memory_space<hbm>> -> memref<8388608xi32, #tpu.memory_space<hbm>>
    tpu.wait_indirect_dma semaphore(%arg8 : memref<!tpu.dma_semaphore, #tpu.memory_space<semaphore_mem>>) src(%dma_wait3A_222 : memref<8388608xi32, #tpu.memory_space<hbm>>) dst(%dma_wait3A_217 : memref<128xi32, #tpu.memory_space<vmem>>)
    %dma_wait3A_223 = arith.constant 12 : i32
    %dma_wait3A_224 = arith.constant 1536 : i32
    %dma_wait3A_225 = tpu.memref_slice %arg6[%dma_wait3A_224] : memref<2048xi32, #tpu.memory_space<vmem>> -> memref<128xi32, #tpu.memory_space<vmem>>
    %dma_wait3A_226 = arith.constant 0 : i32
    %dma_wait3A_227 = tpu.memref_slice %arg5[%dma_wait3A_223, %dma_wait3A_226] : memref<16x128xi32, #tpu.memory_space<vmem>> -> memref<1x128xi32, #tpu.memory_space<vmem>>
    %dma_wait3A_228 = tpu.memref_squeeze %dma_wait3A_227 : memref<1x128xi32, #tpu.memory_space<vmem>> -> memref<128xi32, #tpu.memory_space<vmem>>
    %dma_wait3A_229 = arith.constant 0 : i32
    %dma_wait3A_230 = tpu.memref_slice %arg2[%dma_wait3A_229] : memref<8388608xi32, #tpu.memory_space<hbm>> -> memref<8388608xi32, #tpu.memory_space<hbm>>
    tpu.wait_indirect_dma semaphore(%arg8 : memref<!tpu.dma_semaphore, #tpu.memory_space<semaphore_mem>>) src(%dma_wait3A_230 : memref<8388608xi32, #tpu.memory_space<hbm>>) dst(%dma_wait3A_225 : memref<128xi32, #tpu.memory_space<vmem>>)
    %dma_wait3A_231 = arith.constant 13 : i32
    %dma_wait3A_232 = arith.constant 1664 : i32
    %dma_wait3A_233 = tpu.memref_slice %arg6[%dma_wait3A_232] : memref<2048xi32, #tpu.memory_space<vmem>> -> memref<128xi32, #tpu.memory_space<vmem>>
    %dma_wait3A_234 = arith.constant 0 : i32
    %dma_wait3A_235 = tpu.memref_slice %arg5[%dma_wait3A_231, %dma_wait3A_234] : memref<16x128xi32, #tpu.memory_space<vmem>> -> memref<1x128xi32, #tpu.memory_space<vmem>>
    %dma_wait3A_236 = tpu.memref_squeeze %dma_wait3A_235 : memref<1x128xi32, #tpu.memory_space<vmem>> -> memref<128xi32, #tpu.memory_space<vmem>>
    %dma_wait3A_237 = arith.constant 0 : i32
    %dma_wait3A_238 = tpu.memref_slice %arg2[%dma_wait3A_237] : memref<8388608xi32, #tpu.memory_space<hbm>> -> memref<8388608xi32, #tpu.memory_space<hbm>>
    tpu.wait_indirect_dma semaphore(%arg8 : memref<!tpu.dma_semaphore, #tpu.memory_space<semaphore_mem>>) src(%dma_wait3A_238 : memref<8388608xi32, #tpu.memory_space<hbm>>) dst(%dma_wait3A_233 : memref<128xi32, #tpu.memory_space<vmem>>)
    %dma_wait3A_239 = arith.constant 14 : i32
    %dma_wait3A_240 = arith.constant 1792 : i32
    %dma_wait3A_241 = tpu.memref_slice %arg6[%dma_wait3A_240] : memref<2048xi32, #tpu.memory_space<vmem>> -> memref<128xi32, #tpu.memory_space<vmem>>
    %dma_wait3A_242 = arith.constant 0 : i32
    %dma_wait3A_243 = tpu.memref_slice %arg5[%dma_wait3A_239, %dma_wait3A_242] : memref<16x128xi32, #tpu.memory_space<vmem>> -> memref<1x128xi32, #tpu.memory_space<vmem>>
    %dma_wait3A_244 = tpu.memref_squeeze %dma_wait3A_243 : memref<1x128xi32, #tpu.memory_space<vmem>> -> memref<128xi32, #tpu.memory_space<vmem>>
    %dma_wait3A_245 = arith.constant 0 : i32
    %dma_wait3A_246 = tpu.memref_slice %arg2[%dma_wait3A_245] : memref<8388608xi32, #tpu.memory_space<hbm>> -> memref<8388608xi32, #tpu.memory_space<hbm>>
    tpu.wait_indirect_dma semaphore(%arg8 : memref<!tpu.dma_semaphore, #tpu.memory_space<semaphore_mem>>) src(%dma_wait3A_246 : memref<8388608xi32, #tpu.memory_space<hbm>>) dst(%dma_wait3A_241 : memref<128xi32, #tpu.memory_space<vmem>>)
    %dma_wait3A_247 = arith.constant 15 : i32
    %dma_wait3A_248 = arith.constant 1920 : i32
    %dma_wait3A_249 = tpu.memref_slice %arg6[%dma_wait3A_248] : memref<2048xi32, #tpu.memory_space<vmem>> -> memref<128xi32, #tpu.memory_space<vmem>>
    %dma_wait3A_250 = arith.constant 0 : i32
    %dma_wait3A_251 = tpu.memref_slice %arg5[%dma_wait3A_247, %dma_wait3A_250] : memref<16x128xi32, #tpu.memory_space<vmem>> -> memref<1x128xi32, #tpu.memory_space<vmem>>
    %dma_wait3A_252 = tpu.memref_squeeze %dma_wait3A_251 : memref<1x128xi32, #tpu.memory_space<vmem>> -> memref<128xi32, #tpu.memory_space<vmem>>
    %dma_wait3A_253 = arith.constant 0 : i32
    %dma_wait3A_254 = tpu.memref_slice %arg2[%dma_wait3A_253] : memref<8388608xi32, #tpu.memory_space<hbm>> -> memref<8388608xi32, #tpu.memory_space<hbm>>
    tpu.wait_indirect_dma semaphore(%arg8 : memref<!tpu.dma_semaphore, #tpu.memory_space<semaphore_mem>>) src(%dma_wait3A_254 : memref<8388608xi32, #tpu.memory_space<hbm>>) dst(%dma_wait3A_249 : memref<128xi32, #tpu.memory_space<vmem>>)
    %broadcast_in_dim3A = arith.constant 0.000000e+00 : f32
    %broadcast_in_dim3A_255 = vector.broadcast %broadcast_in_dim3A : f32 to vector<16xf32>
    %scan3A = arith.constant -65536 : i32
    %scan3A_256 = arith.constant 0 : i32
    %scan3A_257 = arith.constant 128 : i32
    %scan3A_258 = arith.addi %scan3A_256, %scan3A_257 : i32
    %scan3A_259 = arith.constant 1 : i32
    %scan3A_260 = scf.for %scan3A_265 = %scan3A_256 to %scan3A_258 step %scan3A_259 iter_args(%scan3A_266 = %broadcast_in_dim3A_255) -> (vector<16xf32>)  : i32 {
      %mul3A_267 = arith.constant 16 : i32
      %mul3A_268 = arith.muli %scan3A_265, %mul3A_267 : i32
      %get3A = arith.index_cast %mul3A_268 : i32 to index
      %get3A_269 = tpu.vector_load %arg6[%get3A] {strides = array<i32>} : memref<2048xi32, #tpu.memory_space<vmem>>, vector<16xi32>,
      %get3A_270 = vector.shape_cast %get3A_269 : vector<16xi32> to vector<16xi32>
      %bitcast_convert_type3A = tpu.bitcast %get3A_270 : vector<16xi32> -> vector<16xi32>
      %and3A = vector.broadcast %scan3A : i32 to vector<16xi32>
      %and3A_271 = arith.andi %bitcast_convert_type3A, %and3A : vector<16xi32>
      %bitcast_convert_type3A_272 = tpu.bitcast %and3A_271 : vector<16xi32> -> vector<16xf32>
      %shift_left3A = arith.constant 16 : i32
      %shift_left3A_273 = vector.broadcast %shift_left3A : i32 to vector<16xi32>
      %shift_left3A_274 = arith.shli %bitcast_convert_type3A, %shift_left3A_273 : vector<16xi32>
      %bitcast_convert_type3A_275 = tpu.bitcast %shift_left3A_274 : vector<16xi32> -> vector<16xf32>
      %sub3A = arith.subf %bitcast_convert_type3A_272, %bitcast_convert_type3A_275 : vector<16xf32>
      %abs3A = math.absf %sub3A : vector<16xf32>
      %lt3A = arith.constant 5.000000e-01 : f32
      %lt3A_276 = vector.broadcast %lt3A : f32 to vector<16xf32>
      %lt3A_277 = arith.cmpf olt, %abs3A, %lt3A_276 : vector<16xf32>
      %mul3A_278 = arith.constant 5.000000e-01 : f32
      %mul3A_279 = vector.broadcast %mul3A_278 : f32 to vector<16xf32>
      %mul3A_280 = arith.mulf %mul3A_279, %abs3A : vector<16xf32>
      %mul3A_281 = arith.mulf %mul3A_280, %abs3A : vector<16xf32>
      %div3A = arith.constant 5.000000e-01 : f32
      %div3A_282 = vector.broadcast %div3A : f32 to vector<16xf32>
      %div3A_283 = arith.divf %mul3A_281, %div3A_282 : vector<16xf32>
      %sub3A_284 = arith.constant 2.500000e-01 : f32
      %sub3A_285 = vector.broadcast %sub3A_284 : f32 to vector<16xf32>
      %sub3A_286 = arith.subf %abs3A, %sub3A_285 : vector<16xf32>
      %select_n3A = arith.select %lt3A_277, %div3A_283, %sub3A_286 : vector<16xi1>, vector<16xf32>
      %add3A_287 = arith.addf %scan3A_266, %select_n3A : vector<16xf32>
      scf.yield %add3A_287 : vector<16xf32>
    }
    %scan3A_261 = arith.constant 128 : i32
    %swap3A = arith.constant 0 : index
    %swap3A_262 = tpu.vector_load %arg7[%swap3A] {strides = array<i32>} : memref<16xf32, #tpu.memory_space<vmem>>, vector<16xf32>,
    %swap3A_263 = vector.shape_cast %swap3A_262 : vector<16xf32> to vector<16xf32>
    %swap3A_264 = vector.shape_cast %scan3A_260 : vector<16xf32> to vector<16xf32>
    tpu.vector_store %arg7[%swap3A], %swap3A_264 {strides = array<i32>} : memref<16xf32, #tpu.memory_space<vmem>>, vector<16xf32>,
    "tpu.region"() ({
      %run_scoped3A = tpu.sem_alloc : memref<!tpu.dma_semaphore, #tpu.memory_space<semaphore_mem>>
      %dma_start3A_265 = arith.constant 0 : i32
      %dma_start3A_266 = tpu.memref_slice %arg4[%add3A, %dma_start3A_265] : memref<32x16xf32, #tpu.memory_space<hbm>> -> memref<1x16xf32, #tpu.memory_space<hbm>>
      %dma_start3A_267 = tpu.memref_squeeze %dma_start3A_266 : memref<1x16xf32, #tpu.memory_space<hbm>> -> memref<16xf32, #tpu.memory_space<hbm>>
      %dma_start3A_268 = arith.constant 0 : i32
      %dma_start3A_269 = tpu.memref_slice %arg4[%add3A, %dma_start3A_268] : memref<32x16xf32, #tpu.memory_space<hbm>> -> memref<1x16xf32, #tpu.memory_space<hbm>>
      %dma_start3A_270 = tpu.memref_squeeze %dma_start3A_269 : memref<1x16xf32, #tpu.memory_space<hbm>> -> memref<16xf32, #tpu.memory_space<hbm>>
      tpu.enqueue_dma source(%arg7 : memref<16xf32, #tpu.memory_space<vmem>>) target(%dma_start3A_270 : memref<16xf32, #tpu.memory_space<hbm>>) target_semaphore(%run_scoped3A : memref<!tpu.dma_semaphore, #tpu.memory_space<semaphore_mem>>)
      %dma_wait3A_271 = arith.constant 0 : i32
      %dma_wait3A_272 = tpu.memref_slice %arg4[%add3A, %dma_wait3A_271] : memref<32x16xf32, #tpu.memory_space<hbm>> -> memref<1x16xf32, #tpu.memory_space<hbm>>
      %dma_wait3A_273 = tpu.memref_squeeze %dma_wait3A_272 : memref<1x16xf32, #tpu.memory_space<hbm>> -> memref<16xf32, #tpu.memory_space<hbm>>
      %dma_wait3A_274 = arith.constant 0 : i32
      %dma_wait3A_275 = tpu.memref_slice %arg4[%add3A, %dma_wait3A_274] : memref<32x16xf32, #tpu.memory_space<hbm>> -> memref<1x16xf32, #tpu.memory_space<hbm>>
      %dma_wait3A_276 = tpu.memref_squeeze %dma_wait3A_275 : memref<1x16xf32, #tpu.memory_space<hbm>> -> memref<16xf32, #tpu.memory_space<hbm>>
      tpu.wait_dma2 semaphore(%run_scoped3A : memref<!tpu.dma_semaphore, #tpu.memory_space<semaphore_mem>>) src(%arg7 : memref<16xf32, #tpu.memory_space<vmem>>) dst(%dma_wait3A_276 : memref<16xf32, #tpu.memory_space<hbm>>)
      tpu.yield
    }) : () -> ()
    return
  }
}

module attributes {stable_mosaic.version = 14 : i64} {
  func.func @_tc_body(%arg0: i32, %arg1: i32, %arg2: memref<1x256x3xf32, #tpu.memory_space<vmem>>, %arg3: memref<1x1024x768xf32, #tpu.memory_space<vmem>>, %arg4: memref<1x1024x768xf32, #tpu.memory_space<vmem>>, %arg5: memref<1x1024x3xf32, #tpu.memory_space<vmem>>, %arg6: memref<262144xi32, #tpu.memory_space<vmem>>, %arg7: memref<1x256x8xi32, #tpu.memory_space<vmem>>, %arg8: memref<1024x768xbf16, #tpu.memory_space<vmem>>, %arg9: memref<1024x768xbf16, #tpu.memory_space<vmem>>) attributes {dimension_semantics = [#tpu.dimension_semantics<parallel>, #tpu.dimension_semantics<arbitrary>], iteration_bounds = array<i64: 8, 4>, scalar_prefetch = 0 : i64, scratch_operands = 2 : i64, tpu.core_type = #tpu.core_type<tc>, window_params = [{transform_indices = @transform_0, window_bounds = array<i64: 1, 256, 3>}, {transform_indices = @transform_1, window_bounds = array<i64: 1, 1024, 768>}, {transform_indices = @transform_2, window_bounds = array<i64: 1, 1024, 768>}, {transform_indices = @transform_3, window_bounds = array<i64: 1, 1024, 3>}, {transform_indices = @transform_4, window_bounds = array<i64: 262144>}, {transform_indices = @transform_5, window_bounds = array<i64: 1, 256, 8>}]} {
    %broadcast_in_dim3A = arith.constant 1.000000e+00 : f32
    %broadcast_in_dim3A_0 = vector.broadcast %broadcast_in_dim3A : f32 to vector<1x768xf32>
    %eq3A = arith.constant 0 : i32
    %eq3A_1 = arith.cmpi eq, %arg1, %eq3A : i32
    %convert_element_type3A = arith.extui %eq3A_1 : i1 to i32
    %cond3A = arith.constant 0 : i32
    %cond3A_2 = arith.cmpi ne, %convert_element_type3A, %cond3A : i32
    scf.if %cond3A_2 {
      %get3A_175 = arith.constant 0 : index
      %get3A_176 = arith.constant 0 : index
      %get3A_177 = arith.constant 0 : index
      %get3A_178 = vector.load %arg3[%get3A_175, %get3A_176, %get3A_177] : memref<1x1024x768xf32, #tpu.memory_space<vmem>>, vector<1x1024x768xf32>
      %get3A_179 = vector.shape_cast %get3A_178 : vector<1x1024x768xf32> to vector<1024x768xf32>
      %mul3A_180 = arith.mulf %get3A_179, %get3A_179 : vector<1024x768xf32>
      %dot_general3A_181 = arith.constant dense<0.000000e+00> : vector<1024x1xf32>
      %dot_general3A_182 = tpu.matmul %mul3A_180, %broadcast_in_dim3A_0, %dot_general3A_181 {dimension_numbers = #tpu.dot_dimension_numbers<[1], [1], [0], [0], [0, 0, 1, 0], [], []>, transpose_lhs_hint = false} : vector<1024x768xf32>, vector<1x768xf32>, vector<1024x1xf32> -> vector<1024x1xf32>
      %sqrt3A = math.sqrt %dot_general3A_182 : vector<1024x1xf32>
      %max3A_183 = arith.constant 9.99999993E-9 : f32
      %max3A_184 = vector.broadcast %max3A_183 : f32 to vector<1024x1xf32>
      %max3A_185 = arith.maximumf %sqrt3A, %max3A_184 : vector<1024x1xf32>
      %div3A = arith.constant 1.000000e+00 : f32
      %div3A_186 = vector.broadcast %div3A : f32 to vector<1024x1xf32>
      %div3A_187 = arith.divf %div3A_186, %max3A_185 : vector<1024x1xf32>
      %mul3A_188 = vector.broadcast %div3A_187 : vector<1024x1xf32> to vector<1024x768xf32>
      %mul3A_189 = arith.mulf %get3A_179, %mul3A_188 : vector<1024x768xf32>
      %convert_element_type3A_190 = arith.truncf %mul3A_189 : vector<1024x768xf32> to vector<1024x768xbf16>
      %swap3A_191 = arith.constant 0 : index
      %swap3A_192 = arith.constant 0 : index
      %swap3A_193 = vector.load %arg8[%swap3A_191, %swap3A_192] : memref<1024x768xbf16, #tpu.memory_space<vmem>>, vector<1024x768xbf16>
      tpu.vector_store %arg8[%swap3A_191, %swap3A_192], %convert_element_type3A_190 {strides = array<i32>} : memref<1024x768xbf16, #tpu.memory_space<vmem>>, vector<1024x768xbf16>,
      %get3A_194 = arith.constant 0 : index
      %get3A_195 = arith.constant 0 : index
      %get3A_196 = arith.constant 0 : index
      %get3A_197 = vector.load %arg4[%get3A_194, %get3A_195, %get3A_196] : memref<1x1024x768xf32, #tpu.memory_space<vmem>>, vector<1x1024x768xf32>
      %get3A_198 = vector.shape_cast %get3A_197 : vector<1x1024x768xf32> to vector<1024x768xf32>
      %mul3A_199 = arith.mulf %get3A_198, %get3A_198 : vector<1024x768xf32>
      %dot_general3A_200 = arith.constant dense<0.000000e+00> : vector<1024x1xf32>
      %dot_general3A_201 = tpu.matmul %mul3A_199, %broadcast_in_dim3A_0, %dot_general3A_200 {dimension_numbers = #tpu.dot_dimension_numbers<[1], [1], [0], [0], [0, 0, 1, 0], [], []>, transpose_lhs_hint = false} : vector<1024x768xf32>, vector<1x768xf32>, vector<1024x1xf32> -> vector<1024x1xf32>
      %sqrt3A_202 = math.sqrt %dot_general3A_201 : vector<1024x1xf32>
      %max3A_203 = arith.constant 9.99999993E-9 : f32
      %max3A_204 = vector.broadcast %max3A_203 : f32 to vector<1024x1xf32>
      %max3A_205 = arith.maximumf %sqrt3A_202, %max3A_204 : vector<1024x1xf32>
      %div3A_206 = arith.constant 1.000000e+00 : f32
      %div3A_207 = vector.broadcast %div3A_206 : f32 to vector<1024x1xf32>
      %div3A_208 = arith.divf %div3A_207, %max3A_205 : vector<1024x1xf32>
      %mul3A_209 = vector.broadcast %div3A_208 : vector<1024x1xf32> to vector<1024x768xf32>
      %mul3A_210 = arith.mulf %get3A_198, %mul3A_209 : vector<1024x768xf32>
      %convert_element_type3A_211 = arith.truncf %mul3A_210 : vector<1024x768xf32> to vector<1024x768xbf16>
      %swap3A_212 = arith.constant 0 : index
      %swap3A_213 = arith.constant 0 : index
      %swap3A_214 = vector.load %arg9[%swap3A_212, %swap3A_213] : memref<1024x768xbf16, #tpu.memory_space<vmem>>, vector<1024x768xbf16>
      tpu.vector_store %arg9[%swap3A_212, %swap3A_213], %convert_element_type3A_211 {strides = array<i32>} : memref<1024x768xbf16, #tpu.memory_space<vmem>>, vector<1024x768xbf16>,
    } else {
    }
    %mul3A = arith.constant 256 : i32
    %mul3A_3 = arith.muli %arg1, %mul3A : i32
    %get3A = arith.index_cast %mul3A_3 : i32 to index
    %get3A_4 = arith.constant 0 : index
    %get3A_5 = vector.load %arg8[%get3A, %get3A_4] : memref<1024x768xbf16, #tpu.memory_space<vmem>>, vector<256x768xbf16>
    %mul3A_6 = arith.constant 256 : i32
    %mul3A_7 = arith.muli %arg1, %mul3A_6 : i32
    %get3A_8 = arith.index_cast %mul3A_7 : i32 to index
    %get3A_9 = arith.constant 0 : index
    %get3A_10 = vector.load %arg9[%get3A_8, %get3A_9] : memref<1024x768xbf16, #tpu.memory_space<vmem>>, vector<256x768xbf16>
    %get3A_11 = arith.constant 0 : index
    %get3A_12 = arith.constant 0 : index
    %get3A_13 = vector.load %arg8[%get3A_11, %get3A_12] : memref<1024x768xbf16, #tpu.memory_space<vmem>>, vector<1024x768xbf16>
    %dot_general3A = arith.constant dense<0.000000e+00> : vector<256x1024xf32>
    %dot_general3A_14 = tpu.matmul %get3A_5, %get3A_13, %dot_general3A {dimension_numbers = #tpu.dot_dimension_numbers<[1], [1], [0], [0], [0, 0, 1, 0], [], []>, transpose_lhs_hint = false} : vector<256x768xbf16>, vector<1024x768xbf16>, vector<256x1024xf32> -> vector<256x1024xf32>
    %get3A_15 = arith.constant 0 : index
    %get3A_16 = arith.constant 0 : index
    %get3A_17 = vector.load %arg9[%get3A_15, %get3A_16] : memref<1024x768xbf16, #tpu.memory_space<vmem>>, vector<1024x768xbf16>
    %dot_general3A_18 = arith.constant dense<0.000000e+00> : vector<256x1024xf32>
    %dot_general3A_19 = tpu.matmul %get3A_10, %get3A_17, %dot_general3A_18 {dimension_numbers = #tpu.dot_dimension_numbers<[1], [1], [0], [0], [0, 0, 1, 0], [], []>, transpose_lhs_hint = false} : vector<256x768xbf16>, vector<1024x768xbf16>, vector<256x1024xf32> -> vector<256x1024xf32>
    %bitcast_convert_type3A = tpu.bitcast %dot_general3A_14 : vector<256x1024xf32> -> vector<256x1024xi32>
    %add3A = arith.constant 32768 : i32
    %add3A_20 = vector.broadcast %add3A : i32 to vector<256x1024xi32>
    %add3A_21 = arith.addi %bitcast_convert_type3A, %add3A_20 : vector<256x1024xi32>
    %and3A = arith.constant -65536 : i32
    %and3A_22 = vector.broadcast %and3A : i32 to vector<256x1024xi32>
    %and3A_23 = arith.andi %add3A_21, %and3A_22 : vector<256x1024xi32>
    %bitcast_convert_type3A_24 = tpu.bitcast %dot_general3A_19 : vector<256x1024xf32> -> vector<256x1024xi32>
    %add3A_25 = arith.constant 32768 : i32
    %add3A_26 = vector.broadcast %add3A_25 : i32 to vector<256x1024xi32>
    %add3A_27 = arith.addi %bitcast_convert_type3A_24, %add3A_26 : vector<256x1024xi32>
    %shift_right_logical3A = arith.constant 16 : i32
    %shift_right_logical3A_28 = vector.broadcast %shift_right_logical3A : i32 to vector<256x1024xi32>
    %shift_right_logical3A_29 = arith.shrui %add3A_27, %shift_right_logical3A_28 : vector<256x1024xi32>
    %or3A = arith.ori %and3A_23, %shift_right_logical3A_29 : vector<256x1024xi32>
    %bitcast_convert_type3A_30 = tpu.bitcast %or3A : vector<256x1024xi32> -> vector<256x1024xi32>
    %reshape3A = vector.shape_cast %bitcast_convert_type3A_30 : vector<256x1024xi32> to vector<262144xi32>
    %swap3A = arith.constant 0 : index
    %swap3A_31 = vector.load %arg6[%swap3A] : memref<262144xi32, #tpu.memory_space<vmem>>, vector<262144xi32>
    tpu.vector_store %arg6[%swap3A], %reshape3A {strides = array<i32>} : memref<262144xi32, #tpu.memory_space<vmem>>, vector<262144xi32>,
    %get3A_32 = arith.constant 0 : index
    %get3A_33 = arith.constant 0 : index
    %get3A_34 = arith.constant 0 : index
    %get3A_35 = vector.load %arg2[%get3A_32, %get3A_33, %get3A_34] : memref<1x256x3xf32, #tpu.memory_space<vmem>>, vector<1x256x3xf32>
    %get3A_36 = vector.shape_cast %get3A_35 : vector<1x256x3xf32> to vector<256x3xf32>
    %get3A_37 = arith.constant 0 : index
    %get3A_38 = arith.constant 0 : index
    %get3A_39 = arith.constant 0 : index
    %get3A_40 = vector.load %arg5[%get3A_37, %get3A_38, %get3A_39] : memref<1x1024x3xf32, #tpu.memory_space<vmem>>, vector<1x1024x3xf32>
    %get3A_41 = vector.shape_cast %get3A_40 : vector<1x1024x3xf32> to vector<1024x3xf32>
    %broadcast_in_dim3A_42 = arith.constant 1.000000e+00 : f32
    %broadcast_in_dim3A_43 = vector.broadcast %broadcast_in_dim3A_42 : f32 to vector<1x3xf32>
    %dot_general3A_44 = arith.constant dense<0.000000e+00> : vector<256x1024xf32>
    %dot_general3A_45 = tpu.matmul %get3A_36, %get3A_41, %dot_general3A_44 {dimension_numbers = #tpu.dot_dimension_numbers<[1], [1], [0], [0], [0, 0, 1, 0], [], []>, transpose_lhs_hint = false} : vector<256x3xf32>, vector<1024x3xf32>, vector<256x1024xf32> -> vector<256x1024xf32>
    %mul3A_46 = arith.mulf %get3A_36, %get3A_36 : vector<256x3xf32>
    %reduce_sum3A = arith.constant dense<0.000000e+00> : vector<256xf32>
    %reduce_sum3A_47 = vector.multi_reduction <add>, %mul3A_46, %reduce_sum3A [1] : vector<256x3xf32> to vector<256xf32>
    %broadcast_in_dim3A_48 = vector.shape_cast %reduce_sum3A_47 : vector<256xf32> to vector<256x1xf32>
    %mul3A_49 = arith.mulf %get3A_41, %get3A_41 : vector<1024x3xf32>
    %dot_general3A_50 = arith.constant dense<0.000000e+00> : vector<1x1024xf32>
    %dot_general3A_51 = tpu.matmul %broadcast_in_dim3A_43, %mul3A_49, %dot_general3A_50 {dimension_numbers = #tpu.dot_dimension_numbers<[1], [1], [0], [0], [0, 0, 1, 0], [], []>, transpose_lhs_hint = false} : vector<1x3xf32>, vector<1024x3xf32>, vector<1x1024xf32> -> vector<1x1024xf32>
    %add3A_52 = vector.broadcast %broadcast_in_dim3A_48 : vector<256x1xf32> to vector<256x1024xf32>
    %add3A_53 = vector.broadcast %dot_general3A_51 : vector<1x1024xf32> to vector<256x1024xf32>
    %add3A_54 = arith.addf %add3A_52, %add3A_53 : vector<256x1024xf32>
    %mul3A_55 = arith.constant 2.000000e+00 : f32
    %mul3A_56 = vector.broadcast %mul3A_55 : f32 to vector<256x1024xf32>
    %mul3A_57 = arith.mulf %mul3A_56, %dot_general3A_45 : vector<256x1024xf32>
    %sub3A = arith.subf %add3A_54, %mul3A_57 : vector<256x1024xf32>
    %max3A = arith.constant 0.000000e+00 : f32
    %max3A_58 = vector.broadcast %max3A : f32 to vector<256x1024xf32>
    %max3A_59 = arith.maximumf %sub3A, %max3A_58 : vector<256x1024xf32>
    %iota3A = tpu.iota {dimensions = array<i32: 1>} : vector<256x1024xi32>
    %iota3A_60 = tpu.iota {dimensions = array<i32: 0>} : vector<256x1024xi32>
    %mul3A_61 = arith.constant 256 : i32
    %mul3A_62 = arith.muli %arg1, %mul3A_61 : i32
    %add3A_63 = vector.broadcast %mul3A_62 : i32 to vector<256x1024xi32>
    %add3A_64 = arith.addi %iota3A_60, %add3A_63 : vector<256x1024xi32>
    %eq3A_65 = arith.cmpi eq, %iota3A, %add3A_64 : vector<256x1024xi32>
    %jit3A = arith.constant 0x7F800000 : f32
    %broadcast_in_dim3A_66 = vector.broadcast %jit3A : f32 to vector<256x1024xf32>
    %select_n3A = arith.select %eq3A_65, %broadcast_in_dim3A_66, %max3A_59 : vector<256x1024xi1>, vector<256x1024xf32>
    %bitcast_convert_type3A_67 = tpu.bitcast %select_n3A : vector<256x1024xf32> -> vector<256x1024xi32>
    %and3A_68 = arith.constant -1024 : i32
    %and3A_69 = vector.broadcast %and3A_68 : i32 to vector<256x1024xi32>
    %and3A_70 = arith.andi %bitcast_convert_type3A_67, %and3A_69 : vector<256x1024xi32>
    %bitcast_convert_type3A_71 = tpu.bitcast %iota3A : vector<256x1024xi32> -> vector<256x1024xi32>
    %or3A_72 = arith.ori %and3A_70, %bitcast_convert_type3A_71 : vector<256x1024xi32>
    %bitcast_convert_type3A_73 = tpu.bitcast %or3A_72 : vector<256x1024xi32> -> vector<256x1024xi32>
    %reduce_min3A = arith.constant dense<2147483647> : vector<256xi32>
    %reduce_min3A_74 = vector.multi_reduction <minsi>, %bitcast_convert_type3A_73, %reduce_min3A [1] : vector<256x1024xi32> to vector<256xi32>
    %broadcast_in_dim3A_75 = vector.shape_cast %reduce_min3A_74 : vector<256xi32> to vector<256x1xi32>
    %eq3A_76 = vector.broadcast %broadcast_in_dim3A_75 : vector<256x1xi32> to vector<256x1024xi32>
    %eq3A_77 = arith.cmpi eq, %bitcast_convert_type3A_73, %eq3A_76 : vector<256x1024xi32>
    %jit3A_78 = arith.constant 2147483647 : i32
    %broadcast_in_dim3A_79 = vector.broadcast %jit3A_78 : i32 to vector<256x1024xi32>
    %select_n3A_80 = arith.select %eq3A_77, %broadcast_in_dim3A_79, %bitcast_convert_type3A_73 : vector<256x1024xi1>, vector<256x1024xi32>
    %and3A_81 = arith.constant 1023 : i32
    %and3A_82 = vector.broadcast %and3A_81 : i32 to vector<256x1xi32>
    %and3A_83 = arith.andi %broadcast_in_dim3A_75, %and3A_82 : vector<256x1xi32>
    %reduce_min3A_84 = arith.constant dense<2147483647> : vector<256xi32>
    %reduce_min3A_85 = vector.multi_reduction <minsi>, %select_n3A_80, %reduce_min3A_84 [1] : vector<256x1024xi32> to vector<256xi32>
    %broadcast_in_dim3A_86 = vector.shape_cast %reduce_min3A_85 : vector<256xi32> to vector<256x1xi32>
    %eq3A_87 = vector.broadcast %broadcast_in_dim3A_86 : vector<256x1xi32> to vector<256x1024xi32>
    %eq3A_88 = arith.cmpi eq, %select_n3A_80, %eq3A_87 : vector<256x1024xi32>
    %jit3A_89 = arith.constant 2147483647 : i32
    %broadcast_in_dim3A_90 = vector.broadcast %jit3A_89 : i32 to vector<256x1024xi32>
    %select_n3A_91 = arith.select %eq3A_88, %broadcast_in_dim3A_90, %select_n3A_80 : vector<256x1024xi1>, vector<256x1024xi32>
    %and3A_92 = arith.constant 1023 : i32
    %and3A_93 = vector.broadcast %and3A_92 : i32 to vector<256x1xi32>
    %and3A_94 = arith.andi %broadcast_in_dim3A_86, %and3A_93 : vector<256x1xi32>
    %reduce_min3A_95 = arith.constant dense<2147483647> : vector<256xi32>
    %reduce_min3A_96 = vector.multi_reduction <minsi>, %select_n3A_91, %reduce_min3A_95 [1] : vector<256x1024xi32> to vector<256xi32>
    %broadcast_in_dim3A_97 = vector.shape_cast %reduce_min3A_96 : vector<256xi32> to vector<256x1xi32>
    %eq3A_98 = vector.broadcast %broadcast_in_dim3A_97 : vector<256x1xi32> to vector<256x1024xi32>
    %eq3A_99 = arith.cmpi eq, %select_n3A_91, %eq3A_98 : vector<256x1024xi32>
    %jit3A_100 = arith.constant 2147483647 : i32
    %broadcast_in_dim3A_101 = vector.broadcast %jit3A_100 : i32 to vector<256x1024xi32>
    %select_n3A_102 = arith.select %eq3A_99, %broadcast_in_dim3A_101, %select_n3A_91 : vector<256x1024xi1>, vector<256x1024xi32>
    %and3A_103 = arith.constant 1023 : i32
    %and3A_104 = vector.broadcast %and3A_103 : i32 to vector<256x1xi32>
    %and3A_105 = arith.andi %broadcast_in_dim3A_97, %and3A_104 : vector<256x1xi32>
    %reduce_min3A_106 = arith.constant dense<2147483647> : vector<256xi32>
    %reduce_min3A_107 = vector.multi_reduction <minsi>, %select_n3A_102, %reduce_min3A_106 [1] : vector<256x1024xi32> to vector<256xi32>
    %broadcast_in_dim3A_108 = vector.shape_cast %reduce_min3A_107 : vector<256xi32> to vector<256x1xi32>
    %eq3A_109 = vector.broadcast %broadcast_in_dim3A_108 : vector<256x1xi32> to vector<256x1024xi32>
    %eq3A_110 = arith.cmpi eq, %select_n3A_102, %eq3A_109 : vector<256x1024xi32>
    %jit3A_111 = arith.constant 2147483647 : i32
    %broadcast_in_dim3A_112 = vector.broadcast %jit3A_111 : i32 to vector<256x1024xi32>
    %select_n3A_113 = arith.select %eq3A_110, %broadcast_in_dim3A_112, %select_n3A_102 : vector<256x1024xi1>, vector<256x1024xi32>
    %and3A_114 = arith.constant 1023 : i32
    %and3A_115 = vector.broadcast %and3A_114 : i32 to vector<256x1xi32>
    %and3A_116 = arith.andi %broadcast_in_dim3A_108, %and3A_115 : vector<256x1xi32>
    %reduce_min3A_117 = arith.constant dense<2147483647> : vector<256xi32>
    %reduce_min3A_118 = vector.multi_reduction <minsi>, %select_n3A_113, %reduce_min3A_117 [1] : vector<256x1024xi32> to vector<256xi32>
    %broadcast_in_dim3A_119 = vector.shape_cast %reduce_min3A_118 : vector<256xi32> to vector<256x1xi32>
    %eq3A_120 = vector.broadcast %broadcast_in_dim3A_119 : vector<256x1xi32> to vector<256x1024xi32>
    %eq3A_121 = arith.cmpi eq, %select_n3A_113, %eq3A_120 : vector<256x1024xi32>
    %jit3A_122 = arith.constant 2147483647 : i32
    %broadcast_in_dim3A_123 = vector.broadcast %jit3A_122 : i32 to vector<256x1024xi32>
    %select_n3A_124 = arith.select %eq3A_121, %broadcast_in_dim3A_123, %select_n3A_113 : vector<256x1024xi1>, vector<256x1024xi32>
    %and3A_125 = arith.constant 1023 : i32
    %and3A_126 = vector.broadcast %and3A_125 : i32 to vector<256x1xi32>
    %and3A_127 = arith.andi %broadcast_in_dim3A_119, %and3A_126 : vector<256x1xi32>
    %reduce_min3A_128 = arith.constant dense<2147483647> : vector<256xi32>
    %reduce_min3A_129 = vector.multi_reduction <minsi>, %select_n3A_124, %reduce_min3A_128 [1] : vector<256x1024xi32> to vector<256xi32>
    %broadcast_in_dim3A_130 = vector.shape_cast %reduce_min3A_129 : vector<256xi32> to vector<256x1xi32>
    %eq3A_131 = vector.broadcast %broadcast_in_dim3A_130 : vector<256x1xi32> to vector<256x1024xi32>
    %eq3A_132 = arith.cmpi eq, %select_n3A_124, %eq3A_131 : vector<256x1024xi32>
    %jit3A_133 = arith.constant 2147483647 : i32
    %broadcast_in_dim3A_134 = vector.broadcast %jit3A_133 : i32 to vector<256x1024xi32>
    %select_n3A_135 = arith.select %eq3A_132, %broadcast_in_dim3A_134, %select_n3A_124 : vector<256x1024xi1>, vector<256x1024xi32>
    %and3A_136 = arith.constant 1023 : i32
    %and3A_137 = vector.broadcast %and3A_136 : i32 to vector<256x1xi32>
    %and3A_138 = arith.andi %broadcast_in_dim3A_130, %and3A_137 : vector<256x1xi32>
    %reduce_min3A_139 = arith.constant dense<2147483647> : vector<256xi32>
    %reduce_min3A_140 = vector.multi_reduction <minsi>, %select_n3A_135, %reduce_min3A_139 [1] : vector<256x1024xi32> to vector<256xi32>
    %broadcast_in_dim3A_141 = vector.shape_cast %reduce_min3A_140 : vector<256xi32> to vector<256x1xi32>
    %eq3A_142 = vector.broadcast %broadcast_in_dim3A_141 : vector<256x1xi32> to vector<256x1024xi32>
    %eq3A_143 = arith.cmpi eq, %select_n3A_135, %eq3A_142 : vector<256x1024xi32>
    %jit3A_144 = arith.constant 2147483647 : i32
    %broadcast_in_dim3A_145 = vector.broadcast %jit3A_144 : i32 to vector<256x1024xi32>
    %select_n3A_146 = arith.select %eq3A_143, %broadcast_in_dim3A_145, %select_n3A_135 : vector<256x1024xi1>, vector<256x1024xi32>
    %and3A_147 = arith.constant 1023 : i32
    %and3A_148 = vector.broadcast %and3A_147 : i32 to vector<256x1xi32>
    %and3A_149 = arith.andi %broadcast_in_dim3A_141, %and3A_148 : vector<256x1xi32>
    %reduce_min3A_150 = arith.constant dense<2147483647> : vector<256xi32>
    %reduce_min3A_151 = vector.multi_reduction <minsi>, %select_n3A_146, %reduce_min3A_150 [1] : vector<256x1024xi32> to vector<256xi32>
    %broadcast_in_dim3A_152 = vector.shape_cast %reduce_min3A_151 : vector<256xi32> to vector<256x1xi32>
    %and3A_153 = arith.constant 1023 : i32
    %and3A_154 = vector.broadcast %and3A_153 : i32 to vector<256x1xi32>
    %and3A_155 = arith.andi %broadcast_in_dim3A_152, %and3A_154 : vector<256x1xi32>
    %mul3A_156 = arith.constant 1024 : i32
    %mul3A_157 = arith.muli %arg0, %mul3A_156 : i32
    %mul3A_158 = arith.constant 256 : i32
    %mul3A_159 = arith.muli %arg1, %mul3A_158 : i32
    %add3A_160 = arith.addi %mul3A_157, %mul3A_159 : i32
    %iota3A_161 = tpu.iota {dimensions = array<i32: 0>} : vector<256x1xi32>
    %add3A_162 = vector.broadcast %add3A_160 : i32 to vector<256x1xi32>
    %add3A_163 = arith.addi %add3A_162, %iota3A_161 : vector<256x1xi32>
    %mul3A_164 = arith.constant 1024 : i32
    %mul3A_165 = vector.broadcast %mul3A_164 : i32 to vector<256x1xi32>
    %mul3A_166 = arith.muli %add3A_163, %mul3A_165 : vector<256x1xi32>
    %concatenate3A = tpu.concatenate %and3A_83, %and3A_94, %and3A_105, %and3A_116, %and3A_127, %and3A_138, %and3A_149, %and3A_155 in 1 : vector<256x1xi32>, vector<256x1xi32>, vector<256x1xi32>, vector<256x1xi32>, vector<256x1xi32>, vector<256x1xi32>, vector<256x1xi32>, vector<256x1xi32> -> vector<256x8xi32>
    %add3A_167 = vector.broadcast %mul3A_166 : vector<256x1xi32> to vector<256x8xi32>
    %add3A_168 = arith.addi %concatenate3A, %add3A_167 : vector<256x8xi32>
    %swap3A_169 = arith.constant 0 : index
    %swap3A_170 = arith.constant 0 : index
    %swap3A_171 = arith.constant 0 : index
    %swap3A_172 = vector.load %arg7[%swap3A_169, %swap3A_170, %swap3A_171] : memref<1x256x8xi32, #tpu.memory_space<vmem>>, vector<1x256x8xi32>
    %swap3A_173 = vector.shape_cast %swap3A_172 : vector<1x256x8xi32> to vector<256x8xi32>
    %swap3A_174 = vector.shape_cast %add3A_168 : vector<256x8xi32> to vector<1x256x8xi32>
    tpu.vector_store %arg7[%swap3A_169, %swap3A_170, %swap3A_171], %swap3A_174 {strides = array<i32>} : memref<1x256x8xi32, #tpu.memory_space<vmem>>, vector<1x256x8xi32>,
    return
  }
  func.func @transform_0(%arg0: i32, %arg1: i32) -> (i32, i32, i32) {
    %c0_i32 = arith.constant 0 : i32
    %c0_i32_0 = arith.constant 0 : i32
    return %arg0, %arg1, %c0_i32 : i32, i32, i32
  }
  func.func @transform_1(%arg0: i32, %arg1: i32) -> (i32, i32, i32) {
    %c0_i32 = arith.constant 0 : i32
    %c0_i32_0 = arith.constant 0 : i32
    %c0_i32_1 = arith.constant 0 : i32
    return %arg0, %c0_i32, %c0_i32_0 : i32, i32, i32
  }
  func.func @transform_2(%arg0: i32, %arg1: i32) -> (i32, i32, i32) {
    %c0_i32 = arith.constant 0 : i32
    %c0_i32_0 = arith.constant 0 : i32
    %c0_i32_1 = arith.constant 0 : i32
    return %arg0, %c0_i32, %c0_i32_0 : i32, i32, i32
  }
  func.func @transform_3(%arg0: i32, %arg1: i32) -> (i32, i32, i32) {
    %c0_i32 = arith.constant 0 : i32
    %c0_i32_0 = arith.constant 0 : i32
    %c0_i32_1 = arith.constant 0 : i32
    return %arg0, %c0_i32, %c0_i32_0 : i32, i32, i32
  }
  func.func @transform_4(%arg0: i32, %arg1: i32) -> i32 {
    %mul3A = arith.constant 4 : i32
    %mul3A_0 = arith.muli %arg0, %mul3A : i32
    %add3A = arith.addi %mul3A_0, %arg1 : i32
    %c0_i32 = arith.constant 0 : i32
    return %add3A : i32
  }
  func.func @transform_5(%arg0: i32, %arg1: i32) -> (i32, i32, i32) {
    %c0_i32 = arith.constant 0 : i32
    %c0_i32_0 = arith.constant 0 : i32
    return %arg0, %arg1, %c0_i32 : i32, i32, i32
  }
}

</mosaic_0001>

<sc_bundles>
// kernel: kernel.4.cloned.1.call-start
scs
__scs_entry_jumppad:
0x0: {  	(pc) =	sbr.rel $0x88, $3  }
0x1: {  	(tag) =	ssettag $0x0;
	lr =	simm.s32 $0x1  }
0x2: {  	[smem:$0x3F9E] =	sst lr;
	_ =	strace $0xD0000000  }
0x3: {  	_ = 	snop  }
0x4: {  	_ = 	snop  }
0x5: {  	_ = 	snop  }
0x6: {  	_ = 	snop  }
0x7: {  	_ = 	snop  }
__scs_overlays_trampoline_lowered:
0x8: {  	[smem:$0x3FAD] =	sst s0  }
0x9: {  	[smem:$0x3FAE] =	sst s1  }
0xa: {  	[smem:$0x3FAF] =	sst s2  }
0xb: {  	[smem:$0x3FB0] =	sst s3  }
0xc: {  	[smem:$0x3FB1] =	sst s4  }
0xd: {  	[smem:$0x3FB2] =	sst s5  }
0xe: {  	[smem:$0x3FB3] =	sst s6  }
0xf: {  	[smem:$0x3FB4] =	sst s7  }
0x10: {  	[smem:$0x3FB5] =	sst s8  }
0x11: {  	[smem:$0x3FB6] =	sst s9;
	s0 =	simm.s32 @!p0 $0x0  }
0x12: {  	s1 =	sld [smem:$0x3F9C];
	s0 =	simm.s32 @p0 $0x1  }
0x13: {  	[smem:$0x3FB7] =	sst s0;
	s0 =	simm.s32 @!p1 $0x0  }
0x14: {  	s2 =	sld [smem:$0x3F9B];
	s0 =	simm.s32 @p1 $0x1  }
0x15: {  	[smem:$0x3FB8] =	sst s0;
	s0 =	simm.s32 @!p2 $0x0  }
0x16: {  	s3 =	sld [smem:$0x3FDB];
	s0 =	simm.s32 @p2 $0x1  }
0x17: {  	s4 =	simm.s32 $0x1BF5;
	[smem:$0x3FBA] =	sst s0  }
0x18: {  	s0 =	sld [smem:$0x3F9D];
	_ =	swait.ge [sflag:s4], $0x0  }
0x19: {  	s7 =	sld [smem:$0x3F9E]  }
0x1a: {  	s8 =	sadd.s32 $0xFFFFE003, lr  }
0x1b: {  	s9 =	sadd.s32 $0xFFFFFEF7, lr;
	s5 =	simm.s32 $0xFFFFFFFF;
	p2 =	slt.u32 s8, $0xFFFFF086  }
0x1c: {  	p1 =	slt.u32 s9, $0xF7A;
	s5 =	simm.s32 @!p2 $0x0  }
0x1d: {  	s5 =	simm.s32 @p1 $0x1;
	p0 =	seq.s32 s7, s2  }
0x1e: {  	s7 =	smul.u32 @!p0 $0xF7A, s2;
	p2 =	seq.s32 @!p0 s5, $0x0  }
0x1f: {  	s9 =	smul.u32 $0xF7A, s1;
	s8 =	simm.s32 @!p0 $0x1BF5;
	p2 =	por !p2, p0  }
0x20: {  	[sflag:s8] =	ssyncset.s32 @!p0 $0xFFFFF086;
	s6 =	sadd.s32 @!p0 s3, s7;
	s7 =	simm.s32 @!p0 $0x108  }
0x21: {  	s3 =	sadd.s32 s3, s9;
	s6 =	sadd.s32 @!p0 $0x88, s6;
	s7 =	simm.s32 @p2 $0x1082  }
0x22: {  	[simem:s7], [sflag:s8] =	dma.local @!p0 [hbm:s6], $0xF7A  }
0x23: {  	s9 =	sor.u32 $0xD0000000, s2;
	s6 =	simm.s32 $0x108;
	_ =	swait.ge @!p0 [sflag:s8], $0x0  }
0x24: {  	s3 =	sadd.s32 $0x88, s3;
	s6 =	simm.s32 @!p1 $0x1082;
	[sflag:s4] =	ssyncset.s32 $0xFFFFF086  }
0x25: {  	[simem:s6], [sflag:s4] =	dma.local [hbm:s3], $0xF7A  }
0x26: {  	[smem:$0x3F9E] =	sst s1;
	(tag) =	ssettag s2;
	_ =	strace s9  }
0x27: {  	s1 =	sld [smem:$0x3FAE]  }
0x28: {  	s2 =	sld [smem:$0x3FAF]  }
0x29: {  	s4 =	sld [smem:$0x3FB1]  }
0x2a: {  	p0 =	seq.s32 s5, $0x0;
	s5 =	sld [smem:$0x3FB2]  }
0x2b: {  	s6 =	sld [smem:$0x3FB3]  }
0x2c: {  	s7 =	sld [smem:$0x3FB4]  }
0x2d: {  	s3 =	simm.s32 $0x108;
	s8 =	sld [smem:$0x3FB5]  }
0x2e: {  	s3 =	simm.s32 @!p0 $0x1082;
	s9 =	sld [smem:$0x3FB6]  }
0x2f: {  	lr =	sadd.s32 s0, s3;
	s0 =	sld [smem:$0x3FAD]  }
0x30: {  	s3 =	sld [smem:$0x3FB0]  }
0x31: {  	[smem:$0x3FB9] =	sst s10  }
0x32: {  	s10 =	sld [smem:$0x3FB7];
	_ =	sdelay $0x3  }
0x33: {  	p0 =	seq.s32 s10, $0x1;
	s10 =	sld [smem:$0x3FB9];
	_ =	sdelay $0x3  }
0x34: {  	[smem:$0x3FB9] =	sst s10  }
0x35: {  	s10 =	sld [smem:$0x3FB8];
	_ =	sdelay $0x3  }
0x36: {  	p1 =	seq.s32 s10, $0x1;
	s10 =	sld [smem:$0x3FB9];
	_ =	sdelay $0x3  }
0x37: {  	[smem:$0x3FB9] =	sst s10  }
0x38: {  	s10 =	sld [smem:$0x3FBA]  }
0x39: {  	_ = 	snop;
	(pc) =	sbr.ind lr, $3  }
0x3a: {  	_ = 	snop  }
0x3b: {  	_ = 	snop  }
0x3c: {  	p2 =	seq.s32 s10, $0x1;
	s10 =	sld [smem:$0x3FB9]  }
0x3d: {  	_ =	shalt  }
0x3e: {  	_ =	shalt  }
0x3f: {  	_ =	shalt  }
0x40: {  	_ =	shalt  }
0x41: {  	_ =	shalt  }
0x42: {  	_ =	shalt  }
0x43: {  	_ =	shalt  }
0x44: {  	_ =	shalt  }
0x45: {  	_ =	shalt  }
0x46: {  	_ =	shalt  }
0x47: {  	_ =	shalt  }
0x48: {  	_ =	shalt  }
0x49: {  	_ =	shalt  }
0x4a: {  	_ =	shalt  }
0x4b: {  	_ =	shalt  }
0x4c: {  	_ =	shalt  }
0x4d: {  	_ =	shalt  }
0x4e: {  	_ =	shalt  }
0x4f: {  	_ =	shalt  }
0x50: {  	_ =	shalt  }
0x51: {  	_ =	shalt  }
0x52: {  	_ =	shalt  }
0x53: {  	_ =	shalt  }
0x54: {  	_ =	shalt  }
0x55: {  	_ =	shalt  }
0x56: {  	_ =	shalt  }
0x57: {  	_ =	shalt  }
0x58: {  	_ =	shalt  }
0x59: {  	_ =	shalt  }
0x5a: {  	_ =	shalt  }
0x5b: {  	_ =	shalt  }
0x5c: {  	_ =	shalt  }
0x5d: {  	_ =	shalt  }
0x5e: {  	_ =	shalt  }
0x5f: {  	_ =	shalt  }
0x60: {  	_ =	shalt  }
0x61: {  	_ =	shalt  }
0x62: {  	_ =	shalt  }
0x63: {  	_ =	shalt  }
0x64: {  	_ =	shalt  }
0x65: {  	_ =	shalt  }
0x66: {  	_ =	shalt  }
0x67: {  	_ =	shalt  }
0x68: {  	_ =	shalt  }
0x69: {  	_ =	shalt  }
0x6a: {  	_ =	shalt  }
0x6b: {  	_ =	shalt  }
0x6c: {  	_ =	shalt  }
0x6d: {  	_ =	shalt  }
0x6e: {  	_ =	shalt  }
0x6f: {  	_ =	shalt  }
0x70: {  	_ =	shalt  }
0x71: {  	_ =	shalt  }
0x72: {  	_ =	shalt  }
0x73: {  	_ =	shalt  }
0x74: {  	_ =	shalt  }
0x75: {  	_ =	shalt  }
0x76: {  	_ =	shalt  }
0x77: {  	_ =	shalt  }
0x78: {  	_ =	shalt  }
0x79: {  	_ =	shalt  }
0x7a: {  	_ =	shalt  }
0x7b: {  	_ =	shalt  }
0x7c: {  	_ =	shalt  }
0x7d: {  	_ =	shalt  }
0x7e: {  	_ =	shalt  }
0x7f: {  	_ =	shalt  }
0x80: {  	_ =	shalt  }
0x81: {  	_ =	shalt  }
0x82: {  	_ =	shalt  }
0x83: {  	_ =	shalt  }
0x84: {  	_ =	shalt  }
0x85: {  	_ =	shalt  }
0x86: {  	_ =	shalt  }
0x87: {  	_ =	shalt  }
.Lfunc_end0:
.L_simem_size_0:
called_computation_lowered:
.L_overlay_start_0:
0x88: {  	s2 =	sld [smem:$0x3FD9]  }
0x89: {  	s3 =	sld [smem:$0x3FFE];
	_ =	sdelay $0x1  }
0x8a: {  	s1 =	srdreg.scid  }
0x8b: {  	s0 =	sand.u32 $0x1, s1  }
0x8c: {  	s16 =	sshll.u32 s0, $0xA;
	s2 =	sadd.s32 s3, s2  }
0x8d: {  	s2 =	sadd.s32 s2, s16  }
0x8e: {  	[smem:$0x3FC5] =	sst s2  }
0x8f: {  	_ = 	snop  }
0x90: {  	(tm) =	ssettm $0x1  }
0x91: {  	s17 =	sld [smem:$0x3FFB];
	_ =	sdelay $0x3  }
0x92: {  	_ =	strace s17  }
0x93: {  	s2 =	sld [smem:$0x3FFC];
	_ =	sdelay $0x3  }
0x94: {  	_ =	strace s2  }
0x95: {  	s2 =	sld [smem:$0x3FFD];
	_ =	sdelay $0x3  }
0x96: {  	_ =	strace s2  }
0x97: {  	_ =	strace $0x8FFFFFFF  }
0x98: {  	s18 =	sld [smem:$0x3FDB];
	_ =	sdelay $0x1  }
0x99: {  	s19 =	simm.s32 $_scs_section_size  }
0x9a: {  	s4 =	simm.s32 $_size__tile_overlayer_lowered;
	s5 =	simm.s32 $_tile_overlayer_lowered  }
0x9b: {  	s22 =	simm.s32 $0x1BFF;
	s21 =	sshll.u32 s5, $0x1;
	s2 =	sadd.s32 s19, s18  }
0x9c: {  	s6 =	simm.s32 $0x0;
	s20 =	sshll.u32 s4, $0x1;
	s4 =	sadd.s32 s21, s2  }
0x9d: {  	[timem:s6], [sflag:s22] =	dma.local [hbm:s4], s20  }
0x9e: {  	_ =	swait.ge [sflag:s22], s20  }
0x9f: {  	s3 =	ssub.s32 $0x0, s20;
	[sflag:s22] =	ssyncset.done $0x0  }
0xa0: {  	[sflag:s22] =	ssyncadd.s32 s3;
	_ =	sdelay $0x1  }
0xa1: {  	s23 =	simm.s32 $0x1B8B  }
0xa2: {  	_ =	swait.ge [sflag:s23], $0x1  }
0xa3: {  	[sflag:s23] =	ssyncset.done $0x0  }
0xa4: {  	s25 =	simm.s32 $0x1B8E;
	s24 =	sld [smem:$0x3FFE];
	[sflag:s23] =	ssyncadd.s32 $0xFFFFFFFF  }
0xa5: {  	s26 =	simm.s32 $execute0_lowered;
	[smem:$0x3FD2] =	sst s25  }
0xa6: {  	s4 =	sshll.u32 s26, $0x1;
	_ =	strace $0x80000046;
	[dreg:$0x1] =	wrdreg $0xFFFFFFFF  }
0xa7: {  	s28 =	simm.s32 $_size_execute0_lowered;
	s2 =	sadd.s32 s2, s4;
	[dreg:$0x0] =	wrdreg $0x0  }
0xa8: {  	s4 =	sshll.u32 s28, $0x1;
	[dreg:$0x2] =	wrdreg s2  }
0xa9: {  	[dreg:$0x3] =	wrdreg s4  }
0xaa: {  	[dreg:$0x4] =	wrdreg $0xC0  }
0xab: {  	_ =	task [dreg:s6], $0x5FFFF  }
0xac: {  	[dreg:$0x1] =	wrdreg $0xFFFFFFFF  }
0xad: {  	[dreg:$0x0] =	wrdreg $0x60  }
0xae: {  	[dreg:$0x2] =	wrdreg s24  }
0xaf: {  	[dreg:$0x3] =	wrdreg $0x9  }
0xb0: {  	_ =	task.clear_ibuf [dreg:s6], $0x4FFFF;
	_ =	strace $0x90000046  }
0xb1: {  	s29 =	simm.s32 $0x9;
	_ =	strace $0x80000048  }
0xb2: {  	_ =	swait.ge [sflag:s29], $0x1  }
0xb3: {  	[sflag:s29] =	ssyncadd.s32 $0xFFFFFFFF  }
0xb4: {  	_ =	strace $0x90000048  }
0xb5: {  	_ =	sfence  }
0xb6: {  	s30 =	sld [smem:$0x0];
	_ =	sdelay $0x2  }
0xb7: {  	s31 =	sshll.u32 s1, $0xD;
	s1 =	sshrl.u32 s1, $0x2  }
0xb8: {  	s3 =	sand.u32 $0x4000, s31;
	s1 =	sadd.s32 s1, s30  }
0xb9: {  	s0 =	sor.u32 s3, s0;
	s1 =	sshll.u32 s1, $0x11  }
0xba: {  	s0 =	sor.u32 s1, s0  }
0xbb: {  	s0 =	sadd.s32 $0x8F2B, s0  }
0xbc: {  	[sflag:s0] =	ssyncadd.remote.s32 $0x1  }
0xbd: {  	_ =	sfence.sel $0xFFFF  }
0xbe: {  	[dreg:$0x0] =	wrdreg $0xFFFFFFFF;
	(pc) =	sbr.abs _section_cstart, $3  }
0xbf: {  	[dreg:$0x1] =	wrdreg $0xFFFFFFFF  }
0xc0: {  	_ =	task.clear_ibuf [dreg:s6], $0x2FFFF;
	_ =	strace $0x9FFFFFFF  }
0xc1: {  	(tm) =	ssettm $0x7FFFFFFF  }
tec
execute0_lowered:
.L_overlay_start_1:
0x0: {  	(tag) =	ssettag $0x1  }
0x1: {  	s0 =	rddreg [dreg:$0x0];
	s2 =	simm.s32 $0x0  }
0x2: {  	s1 =	srdreg.scid;
	s3 =	stileid.u32;
	s7 =	simm.s32 $0x2  }
0x3: {  	s8 =	simm.s32 $0x80;
	s20 =	simm.s32 $0xB00;
	s21 =	simm.s32 $0x380  }
0x4: {  	s22 =	simm.s32 $0xB80;
	s23 =	simm.s32 $0x400;
	[smem:$0x7FF] =	sst s2  }
0x5: {  	v0 =	vimm.f32 $5.000000000e-01;
	s24 =	simm.s32 $0xC00;
	s25 =	simm.s32 $0x480;
	_ =	strace $0x80000047  }
0x6: {  	s28 =	simm.s32 $0x500;
	s29 =	simm.s32 $0xD00;
	s30 =	simm.s32 $0x580;
	(erf) = vrcp.f32 v0  }
0x7: {  	s31 =	simm.s32 $0xD80;
	s9 =	simm.s32 $0x680;
	s10 =	simm.s32 $0xE80  }
0x8: {  	s11 =	simm.s32 $0x700;
	s12 =	simm.s32 $0xF00;
	s13 =	simm.s32 $0x780  }
0x9: {  	s14 =	simm.s32 $0xF80;
	s1 =	sand.u32 $0x1, s1;
	s4 =	sshll.u32 s3, $0x1  }
0xa: {  	s15 =	simm.s32 $0x1;
	s16 =	simm.s32 $0x1000;
	s4 =	sor.u32 s1, s4  }
0xb: {  	s3 =	sadd.s32 $0x200, s0;
	s1 =	ssub.s32 $0x2, s1;
	s5 =	sshll.u32 s4, $0x8  }
0xc: {  	s4 =	sshll.u32 s4, $0x4;
	s26 =	sshrl.u32 s1, $0x1;
	s5 =	sadd.s32 s5, s0  }
0xd: {  	s0 =	sadd.s32 s4, s0;
	s1 =	ssub.s32 s1, s26;
	s26 =	simm.s32 $0xC80  }
0xe: {  	s17 =	simm.s32 $0x0;
	s4 =	sadd.s32 $0x100200, s5;
	s5 =	sadd.s32 $0x102200, s0  }
0xf: {  	s6 =	smax.u32 s1, $0x1;
	s0 =	simm.s32 $0x600;
	s1 =	simm.s32 $0xE00;
	v0 =	vpop (erf)  }
.LBB2_1:
0x10: {  	[tilespmem:s2], [sflag:$0x2] =	stream.linear.gather [hbm4b:s4+s2], $0x800, $0x38;
	[tilespmem:$0x1080] =	vst v63  }
0x11: {  	_ =	swait.ge [sflag:s7], $0x800  }
0x12: {  	[sflag:s7] =	ssyncset.done $0x0  }
0x13: {  	s18 =	simm.s32 $0x800;
	[sflag:s7] =	ssyncadd.s32 $0xFFFFF800  }
0x14: {  	[tilespmem:s18], [sflag:$0x1] =	stream.indirect.gather [hbm4b:s3+s8], $0x1, s2, s8, $0xb8;
	[tilespmem:$0x1080] =	vst v63  }
0x15: {  	s19 =	simm.s32 $0x880  }
0x16: {  	[tilespmem:s19], [sflag:$0x1] =	stream.indirect.gather [hbm4b:s3+s8], $0x1, s8, s8, $0xb8;
	[tilespmem:$0x1080] =	vst v63  }
0x17: {  	s18 =	simm.s32 $0x100;
	s19 =	simm.s32 $0x900  }
0x18: {  	[tilespmem:s19], [sflag:$0x1] =	stream.indirect.gather [hbm4b:s3+s8], $0x1, s18, s8, $0xb8;
	[tilespmem:$0x1080] =	vst v63  }
0x19: {  	s18 =	simm.s32 $0x180;
	s19 =	simm.s32 $0x980  }
0x1a: {  	[tilespmem:s19], [sflag:$0x1] =	stream.indirect.gather [hbm4b:s3+s8], $0x1, s18, s8, $0xb8;
	[tilespmem:$0x1080] =	vst v63  }
0x1b: {  	s18 =	simm.s32 $0x200;
	s19 =	simm.s32 $0xA00  }
0x1c: {  	[tilespmem:s19], [sflag:$0x1] =	stream.indirect.gather [hbm4b:s3+s8], $0x1, s18, s8, $0xb8;
	[tilespmem:$0x1080] =	vst v63  }
0x1d: {  	s18 =	simm.s32 $0x280;
	s19 =	simm.s32 $0xA80  }
0x1e: {  	[tilespmem:s19], [sflag:$0x1] =	stream.indirect.gather [hbm4b:s3+s8], $0x1, s18, s8, $0xb8;
	[tilespmem:$0x1080] =	vst v63  }
0x1f: {  	s19 =	simm.s32 $0x300  }
0x20: {  	[tilespmem:s20], [sflag:$0x1] =	stream.indirect.gather [hbm4b:s3+s8], $0x1, s19, s8, $0xb8;
	[tilespmem:$0x1080] =	vst v63  }
0x21: {  	_ = 	snop  }
0x22: {  	[tilespmem:s22], [sflag:$0x1] =	stream.indirect.gather [hbm4b:s3+s8], $0x1, s21, s8, $0xb8;
	[tilespmem:$0x1080] =	vst v63  }
0x23: {  	_ = 	snop  }
0x24: {  	[tilespmem:s24], [sflag:$0x1] =	stream.indirect.gather [hbm4b:s3+s8], $0x1, s23, s8, $0xb8;
	[tilespmem:$0x1080] =	vst v63  }
0x25: {  	_ = 	snop  }
0x26: {  	[tilespmem:s26], [sflag:$0x1] =	stream.indirect.gather [hbm4b:s3+s8], $0x1, s25, s8, $0xb8;
	[tilespmem:$0x1080] =	vst v63  }
0x27: {  	_ = 	snop  }
0x28: {  	[tilespmem:s29], [sflag:$0x1] =	stream.indirect.gather [hbm4b:s3+s8], $0x1, s28, s8, $0xb8;
	[tilespmem:$0x1080] =	vst v63  }
0x29: {  	_ = 	snop  }
0x2a: {  	[tilespmem:s31], [sflag:$0x1] =	stream.indirect.gather [hbm4b:s3+s8], $0x1, s30, s8, $0xb8;
	[tilespmem:$0x1080] =	vst v63  }
0x2b: {  	_ = 	snop  }
0x2c: {  	[tilespmem:s1], [sflag:$0x1] =	stream.indirect.gather [hbm4b:s3+s8], $0x1, s0, s8, $0xb8;
	[tilespmem:$0x1080] =	vst v63  }
0x2d: {  	_ = 	snop  }
0x2e: {  	[tilespmem:s10], [sflag:$0x1] =	stream.indirect.gather [hbm4b:s3+s8], $0x1, s9, s8, $0xb8;
	[tilespmem:$0x1080] =	vst v63  }
0x2f: {  	_ = 	snop  }
0x30: {  	[tilespmem:s12], [sflag:$0x1] =	stream.indirect.gather [hbm4b:s3+s8], $0x1, s11, s8, $0xb8;
	[tilespmem:$0x1080] =	vst v63  }
0x31: {  	_ = 	snop  }
0x32: {  	[tilespmem:s14], [sflag:$0x1] =	stream.indirect.gather [hbm4b:s3+s8], $0x1, s13, s8, $0xb8;
	[tilespmem:$0x1080] =	vst v63  }
0x33: {  	_ =	swait.ge [sflag:s15], $0x80  }
0x34: {  	[sflag:s15] =	ssyncset.done $0x0  }
0x35: {  	[sflag:s15] =	ssyncadd.s32 $0xFFFFFF80  }
0x36: {  	_ =	swait.ge [sflag:s15], $0x80  }
0x37: {  	[sflag:s15] =	ssyncset.done $0x0  }
0x38: {  	[sflag:s15] =	ssyncadd.s32 $0xFFFFFF80  }
0x39: {  	_ =	swait.ge [sflag:s15], $0x80  }
0x3a: {  	[sflag:s15] =	ssyncset.done $0x0  }
0x3b: {  	[sflag:s15] =	ssyncadd.s32 $0xFFFFFF80  }
0x3c: {  	_ =	swait.ge [sflag:s15], $0x80  }
0x3d: {  	[sflag:s15] =	ssyncset.done $0x0  }
0x3e: {  	[sflag:s15] =	ssyncadd.s32 $0xFFFFFF80  }
0x3f: {  	_ =	swait.ge [sflag:s15], $0x80  }
0x40: {  	[sflag:s15] =	ssyncset.done $0x0  }
0x41: {  	[sflag:s15] =	ssyncadd.s32 $0xFFFFFF80  }
0x42: {  	_ =	swait.ge [sflag:s15], $0x80  }
0x43: {  	[sflag:s15] =	ssyncset.done $0x0  }
0x44: {  	[sflag:s15] =	ssyncadd.s32 $0xFFFFFF80  }
0x45: {  	_ =	swait.ge [sflag:s15], $0x80  }
0x46: {  	[sflag:s15] =	ssyncset.done $0x0  }
0x47: {  	[sflag:s15] =	ssyncadd.s32 $0xFFFFFF80  }
0x48: {  	_ =	swait.ge [sflag:s15], $0x80  }
0x49: {  	[sflag:s15] =	ssyncset.done $0x0  }
0x4a: {  	[sflag:s15] =	ssyncadd.s32 $0xFFFFFF80  }
0x4b: {  	_ =	swait.ge [sflag:s15], $0x80  }
0x4c: {  	[sflag:s15] =	ssyncset.done $0x0  }
0x4d: {  	[sflag:s15] =	ssyncadd.s32 $0xFFFFFF80  }
0x4e: {  	_ =	swait.ge [sflag:s15], $0x80  }
0x4f: {  	[sflag:s15] =	ssyncset.done $0x0  }
0x50: {  	[sflag:s15] =	ssyncadd.s32 $0xFFFFFF80  }
0x51: {  	_ =	swait.ge [sflag:s15], $0x80  }
0x52: {  	[sflag:s15] =	ssyncset.done $0x0  }
0x53: {  	[sflag:s15] =	ssyncadd.s32 $0xFFFFFF80  }
0x54: {  	_ =	swait.ge [sflag:s15], $0x80  }
0x55: {  	[sflag:s15] =	ssyncset.done $0x0  }
0x56: {  	[sflag:s15] =	ssyncadd.s32 $0xFFFFFF80  }
0x57: {  	_ =	swait.ge [sflag:s15], $0x80  }
0x58: {  	[sflag:s15] =	ssyncset.done $0x0  }
0x59: {  	[sflag:s15] =	ssyncadd.s32 $0xFFFFFF80  }
0x5a: {  	_ =	swait.ge [sflag:s15], $0x80  }
0x5b: {  	[sflag:s15] =	ssyncset.done $0x0  }
0x5c: {  	[sflag:s15] =	ssyncadd.s32 $0xFFFFFF80  }
0x5d: {  	_ =	swait.ge [sflag:s15], $0x80  }
0x5e: {  	[sflag:s15] =	ssyncset.done $0x0  }
0x5f: {  	[sflag:s15] =	ssyncadd.s32 $0xFFFFFF80  }
0x60: {  	_ =	swait.ge [sflag:s15], $0x80  }
0x61: {  	[sflag:s15] =	ssyncset.done $0x0  }
0x62: {  	s19 =	simm.s32 $0x0;
	[sflag:s15] =	ssyncadd.s32 $0xFFFFFF80  }
0x63: {  	v1 =	vld [tilespmem:s19+$0x800];
	_ =	sdelay $0x4  }
0x64: {  	s19 =	simm.s32 $0x10;
	v2 =	vand.u32 $0xFFFF0000, v1;
	v1 =	vshll.u32 v1, $0x10  }
0x65: {  	v3 =	vld [tilespmem:s19+$0x800];
	v1 =	vsub.f32 v2, v1;
	_ =	sdelay $0x1  }
0x66: {  	v2 =	vand.u32 $0x7FFFFFFF, v1  }
0x67: {  	v4 =	vmul.f32 $5.000000000e-01, v2  }
0x68: {  	s18 =	simm.s32 $0x80;
	v1 =	vimm.f32 $0.0e+00  }
.LBB2_2:
0x69: {  	s19 =	sshra.s32 s18, $0x2;
	p0 =	sne.s32 s18, $0x1FC0;
	s18 =	sadd.s32 $0x40, s18;
	v5 =	vand.u32 $0xFFFF0000, v3;
	v6 =	vshll.u32 v3, $0x10;
	v4 =	vmul.f32 v4, v2  }
.Ltmp0:
0x6a: {  	v3 =	vld [tilespmem:s19+$0x800];
	v5 =	vsub.f32 v5, v6;
	(pc) =	sbr.rel @p0 .LBB2_2-.Ltmp0, $4  }
0x6b: {  	v7 =	vadd.f32 $-2.500000000e-01, v2;
	v6 =	vmul.f32 v4, v0  }
0x6c: {  	vm0 =	vlt.f32 v2, $5.000000000e-01;
	v2 =	vand.u32 $0x7FFFFFFF, v5  }
0x6d: {  	v4 =	vmul.f32 $5.000000000e-01, v2;
	v5 =	vsel vm0, v6, v7  }
0x6e: {  	v1 =	vadd.f32 v5, v1  }
0x6f: {  	v5 =	vand.u32 $0xFFFF0000, v3;
	v3 =	vshll.u32 v3, $0x10  }
0x70: {  	v3 =	vsub.f32 v5, v3;
	_ =	sdelay $0x1  }
0x71: {  	v3 =	vand.u32 $0x7FFFFFFF, v3  }
0x72: {  	v4 =	vmul.f32 v4, v2;
	v61 =	vmul.f32 $5.000000000e-01, v3;
	_ =	sdelay $0x1  }
0x73: {  	v6 =	vadd.f32 $-2.500000000e-01, v2;
	v4 =	vmul.f32 v4, v0;
	v5 =	vmul.f32 v61, v3  }
0x74: {  	vm0 =	vlt.f32 v2, $5.000000000e-01  }
0x75: {  	v2 =	vsel vm0, v4, v6;
	v63 =	vadd.f32 $-2.500000000e-01, v3;
	v62 =	vmul.f32 v5, v0  }
0x76: {  	vm15 =	vlt.f32 v3, $5.000000000e-01;
	v1 =	vadd.f32 v2, v1  }
0x77: {  	v2 =	vsel vm15, v62, v63  }
0x78: {  	s17 =	sadd.s32 $0x1, s17;
	v1 =	vadd.f32 v2, v1  }
0x79: {  	p0 =	sne.s32 s17, s6  }
.Ltmp1:
0x7a: {  	[tilespmem:$0x1000] =	vst v1;
	(pc) =	sbr.rel @p0 .LBB2_1-.Ltmp1, $4  }
0x7b: {  	[hbm4b:s5+s2] =	stream.linear.scatter [tilespmem:s16], [sflag:$0x2], $0x80, $0x38;
	[tilespmem:$0x1080] =	vst v63  }
0x7c: {  	_ =	swait.ge [sflag:s7], $0x80  }
0x7d: {  	[sflag:s7] =	ssyncset.done $0x0  }
0x7e: {  	[sflag:s7] =	ssyncadd.s32 $0xFFFFFF80  }
0x7f: {  	_ =	sfence.sel $0x180000  }
0x80: {  	[bflag:$0x0] =	sbarrier.arrive $0xFFFF  }
0x81: {  	_ =	strace $0x90000047  }
0x82: {  	s0 =	stileid.u32;
	[bflag:$0x2] =	sbarrier.arrive $0xFFFF  }
0x83: {  	p0 =	sne.s32 s0, $0x0;
	s0 =	rddreg [dreg:$0x1]  }
0x84: {  	s0 =	sadd.s32 @!p0 $0x100000, s0  }
0x85: {  	[sflag:s0] =	ssyncadd.tile.s32 @!p0 $0x1;
	_ =	shalt  }
.Lfunc_end2:
_tile_overlayer_lowered:
.L_overlay_start_2:
0x86: {  	(tag) =	ssettag $0x2  }
0x87: {  	s0 =	rddreg [dreg:$0x0];
	s2 =	stileid.u32  }
0x88: {  	s1 =	rddreg [dreg:$0x1];
	p0 =	sne.s32 s2, $0x0  }
0x89: {  	s3 =	rddreg [dreg:$0x2];
	[bflag:$0x3] =	sbarrier.arrive $0xFFFF;
	s2 =	simm.s32 @!p0 $0x1C02  }
0x8a: {  	[timem:s3], [sflag:s2] =	dma.local @!p0 [hbm:s0], s1  }
0x8b: {  	s0 =	simm.s32 @!p0 $0x2  }
0x8c: {  	_ =	swait.ge @!p0 [sflag:s0], s1  }
0x8d: {  	s1 =	ssub.s32 @!p0 $0x0, s1;
	[sflag:s0] =	ssyncset.done @!p0 $0x0  }
0x8e: {  	[sflag:s0] =	ssyncadd.s32 @!p0 s1  }
0x8f: {  	[bflag:$0x3] =	sbarrier.arrive $0xFFFF  }
0x90: {  	_ =	shalt  }

</sc_bundles>
